<compile_context>
chip_gen: v7x
topology: tpu7x:2x2x1
jax: 0.10.2.dev20260603
libtpu: 0.0.44.dev20260713+nightly
codegen_flags: <defaults>
</compile_context>

<pallas_src>
import jax
import jax.numpy as jnp
from jax import lax
from jax.experimental import pallas as pl
from jax.experimental.pallas import tpu as pltpu
from jax.experimental.pallas import tpu_sc as plsc

VOCAB = 1000
EMB_DIM = 4
B, L = 4096, 50

NC, NS = 2, 16
NW = NC * NS
BT = B // NW
VT = VOCAB // 8
QW = 16
NQ = BT // QW
LANES = 16


def _table_body(emb_ref, w_ref, b_ref, out_ref):
    acc = jax.lax.dot_general(
        emb_ref[...], w_ref[...],
        (((1,), (1,)), ((), ())),
        preferred_element_type=jnp.float32,
    )
    out_ref[...] = acc + b_ref[...]


def _make_table(emb_table, W, b):
    return pl.pallas_call(
        _table_body,
        out_shape=jax.ShapeDtypeStruct((VOCAB, VOCAB), jnp.float32),
    )(emb_table, W, b.reshape(1, VOCAB))


def _sc_gather_body(table_hbm, xt_hbm, out_hbm,
                    idx_v, rows0, rows1, rows2, tr0, tr1, tr2,
                    gs0, gs1, gs2, ws0, ws1, ws2):
    c = lax.axis_index("c")
    s = lax.axis_index("s")
    wid = s * NC + c

    iota = lax.iota(jnp.int32, LANES)
    bvecs = [iota + b2 for b2 in range(0, QW, LANES)]

    pltpu.sync_copy(xt_hbm.at[pl.ds(0, L), pl.ds(wid * BT, BT)], idx_v)

    NQTOT = L * NQ

    def gather(Q, rows_v, sem):
        l = Q // NQ
        q = lax.rem(Q, NQ)
        src = table_hbm.at[idx_v.at[l, pl.ds(q * QW, QW)]]
        return pltpu.make_async_copy(src, rows_v, sem)

    def out_dma(Q, tr_v, sem):
        l = Q // NQ
        q = lax.rem(Q, NQ)
        dst = out_hbm.at[l, pl.ds(0, VT), wid, pl.ds(0, 8), pl.ds(q * QW, QW)]
        return pltpu.make_async_copy(tr_v, dst, sem)

    def transpose(rows_v, tr_v):
        @plsc.parallel_loop(0, VT, unroll=4)
        def _(vt):
            for vi in range(8):
                col_v = jnp.full((LANES,), vt * 8 + vi, jnp.int32)
                for k, bv in enumerate(bvecs):
                    tr_v[vt, vi, pl.ds(k * LANES, LANES)] = (
                        plsc.load_gather(rows_v, [bv, col_v]))

    bufs = [(rows0, gs0, tr0, ws0), (rows1, gs1, tr1, ws1),
            (rows2, gs2, tr2, ws2)]
    NDEEP = len(bufs)

    for k in range(NDEEP):
        gather(k, bufs[k][0], bufs[k][1]).start()

    NTRIPLE = -(-NQTOT // NDEEP)

    def triple(t3, carry):
        for k in range(NDEEP):
            Q = t3 * NDEEP + k
            rows_v, gsem, tr_v, wsem = bufs[k]

            @pl.when(Q < NQTOT)
            def _():
                gather(Q, rows_v, gsem).wait()

                @pl.when(Q >= NDEEP)
                def _():
                    out_dma(Q, tr_v, wsem).wait()

                transpose(rows_v, tr_v)
                out_dma(Q, tr_v, wsem).start()

                @pl.when(Q + NDEEP < NQTOT)
                def _():
                    gather(Q + NDEEP, rows_v, gsem).start()
        return carry

    lax.fori_loop(0, NTRIPLE, triple, 0)
    for Q in range(NQTOT - NDEEP, NQTOT):
        _, _, tr_v, wsem = bufs[Q % NDEEP]
        out_dma(Q, tr_v, wsem).wait()


def _gather_rows(table, x_t):
    mesh = plsc.VectorSubcoreMesh(core_axis_name="c", subcore_axis_name="s")
    return pl.kernel(
        _sc_gather_body,
        out_type=jax.ShapeDtypeStruct((L, VT, NW, 8, BT), jnp.float32),
        mesh=mesh,
        scratch_types=[
            pltpu.VMEM((L, BT), jnp.int32),
            pltpu.VMEM((QW, VOCAB), jnp.float32),
            pltpu.VMEM((QW, VOCAB), jnp.float32),
            pltpu.VMEM((QW, VOCAB), jnp.float32),
            pltpu.VMEM((VT, 8, QW), jnp.float32),
            pltpu.VMEM((VT, 8, QW), jnp.float32),
            pltpu.VMEM((VT, 8, QW), jnp.float32),
            pltpu.SemaphoreType.DMA,
            pltpu.SemaphoreType.DMA,
            pltpu.SemaphoreType.DMA,
            pltpu.SemaphoreType.DMA,
            pltpu.SemaphoreType.DMA,
            pltpu.SemaphoreType.DMA,
        ],
        compiler_params=pltpu.CompilerParams(
            use_tc_tiling_on_sc=False, needs_layout_passes=False
        ),
    )(table, x_t)


def kernel(x, emb_table, W, b):
    table = _make_table(emb_table, W, b)
    x_t = x.astype(jnp.int32).T
    out5 = _gather_rows(table, x_t)
    return out5.transpose(2, 4, 0, 1, 3).reshape(B, L, VOCAB)

# --- scband reference (transcript-rebuilt; emitter-appended) ---
"""Pipeline reference for scband-tiny-char-model-34754875359681 (READ-ONLY COPY).

The authoritative reference and input builder live on the scoring server;
editing this copy changes nothing except your own understanding.
"""

import jax, jax.numpy as jnp
import numpy as np

VOCAB = 1000
EMB_DIM = 4
B, L = 4096, 50

def setup_inputs(seed: int = 0) -> dict:
    key = jax.random.key(seed)
    k1, k2, k3, k4 = jax.random.split(key, 4)
    x = jax.random.randint(k1, (B, L), 0, VOCAB, dtype=jnp.int64 if jax.config.jax_enable_x64 else jnp.int32)
    emb_table = jax.random.normal(k2, (VOCAB, EMB_DIM), dtype=jnp.float32)
    # torch Linear(4, vocab): weight [vocab, 4], bias [vocab]
    bound = 1.0 / np.sqrt(EMB_DIM)
    W = jax.random.uniform(k3, (VOCAB, EMB_DIM), dtype=jnp.float32, minval=-bound, maxval=bound)
    b = jax.random.uniform(k4, (VOCAB,), dtype=jnp.float32, minval=-bound, maxval=bound)
    return {"x": x, "emb_table": emb_table, "W": W, "b": b}

def reference(x, emb_table, W, b):
    # embedding lookup (gather)
    h = jnp.take(emb_table, x, axis=0)          # [B, L, 4]
    # linear projection: h @ W.T + b
    logits = jnp.einsum('bld,vd->blv', h, W) + b  # [B, L, VOCAB]
    return logits

if __name__ == "__main__":
    import jax
    _d = setup_inputs()
    print(jax.jit(kernel)(*tuple(_d.values())))

</pallas_src>

<mosaic_0001>
#map = affine_map<(d0, d1) -> (0, 0)>
#map1 = affine_map<(d0, d1) -> (0, 0, 0, 0, 0)>
module attributes {stable_mosaic.version = 14 : i64} {
  func.func @_sc_gather_body(%arg0: i32, %arg1: i32, %arg2: memref<1000x1000xf32, #tpu.memory_space<hbm>>, %arg3: memref<50x4096xi32, #tpu.memory_space<hbm>>, %arg4: memref<50x125x32x8x128xf32, #tpu.memory_space<hbm>>, %arg5: memref<50x128xi32, #tpu.memory_space<vmem>>, %arg6: memref<16x1000xf32, #tpu.memory_space<vmem>>, %arg7: memref<16x1000xf32, #tpu.memory_space<vmem>>, %arg8: memref<16x1000xf32, #tpu.memory_space<vmem>>, %arg9: memref<125x8x16xf32, #tpu.memory_space<vmem>>, %arg10: memref<125x8x16xf32, #tpu.memory_space<vmem>>, %arg11: memref<125x8x16xf32, #tpu.memory_space<vmem>>, %arg12: memref<!tpu.dma_semaphore, #tpu.memory_space<semaphore_mem>>, %arg13: memref<!tpu.dma_semaphore, #tpu.memory_space<semaphore_mem>>, %arg14: memref<!tpu.dma_semaphore, #tpu.memory_space<semaphore_mem>>, %arg15: memref<!tpu.dma_semaphore, #tpu.memory_space<semaphore_mem>>, %arg16: memref<!tpu.dma_semaphore, #tpu.memory_space<semaphore_mem>>, %arg17: memref<!tpu.dma_semaphore, #tpu.memory_space<semaphore_mem>>) attributes {dimension_semantics = [#tpu.dimension_semantics<core_parallel>, #tpu.dimension_semantics<subcore_parallel>], iteration_bounds = array<i64: 2, 16>, scalar_prefetch = 0 : i64, scratch_operands = 13 : i64, tpu.core_type = #tpu.core_type<sc_vector_subcore>, window_params = [{transform_indices = #map}, {transform_indices = #map}, {transform_indices = #map1}]} {
    %mul3A = arith.constant 2 : i32
    %mul3A_0 = arith.muli %arg1, %mul3A : i32
    %add3A = arith.addi %mul3A_0, %arg0 : i32
    %iota3A = tpu.iota {dimensions = array<i32: 0>} : vector<16xi32>
    %add3A_1 = arith.constant 0 : i32
    %add3A_2 = vector.broadcast %add3A_1 : i32 to vector<16xi32>
    %add3A_3 = arith.addi %iota3A, %add3A_2 : vector<16xi32>
    %mul3A_4 = arith.constant 128 : i32
    %mul3A_5 = arith.muli %add3A, %mul3A_4 : i32
    "tpu.region"() ({
      %run_scoped3A = tpu.sem_alloc : memref<!tpu.dma_semaphore, #tpu.memory_space<semaphore_mem>>
      %dma_start3A_83 = arith.constant 0 : i32
      %dma_start3A_84 = tpu.memref_slice %arg3[%dma_start3A_83, %mul3A_5] : memref<50x4096xi32, #tpu.memory_space<hbm>> -> memref<50x128xi32, #tpu.memory_space<hbm>>
      %dma_start3A_85 = arith.constant 0 : i32
      %dma_start3A_86 = tpu.memref_slice %arg3[%dma_start3A_85, %mul3A_5] : memref<50x4096xi32, #tpu.memory_space<hbm>> -> memref<50x128xi32, #tpu.memory_space<hbm>>
      tpu.enqueue_dma source(%dma_start3A_86 : memref<50x128xi32, #tpu.memory_space<hbm>>) target(%arg5 : memref<50x128xi32, #tpu.memory_space<vmem>>) target_semaphore(%run_scoped3A : memref<!tpu.dma_semaphore, #tpu.memory_space<semaphore_mem>>)
      %dma_wait3A_87 = arith.constant 0 : i32
      %dma_wait3A_88 = tpu.memref_slice %arg3[%dma_wait3A_87, %mul3A_5] : memref<50x4096xi32, #tpu.memory_space<hbm>> -> memref<50x128xi32, #tpu.memory_space<hbm>>
      %dma_wait3A_89 = arith.constant 0 : i32
      %dma_wait3A_90 = tpu.memref_slice %arg3[%dma_wait3A_89, %mul3A_5] : memref<50x4096xi32, #tpu.memory_space<hbm>> -> memref<50x128xi32, #tpu.memory_space<hbm>>
      tpu.wait_dma2 semaphore(%run_scoped3A : memref<!tpu.dma_semaphore, #tpu.memory_space<semaphore_mem>>) src(%dma_wait3A_90 : memref<50x128xi32, #tpu.memory_space<hbm>>) dst(%arg5 : memref<50x128xi32, #tpu.memory_space<vmem>>)
      tpu.yield
    }) : () -> ()
    %rem3A = arith.constant 0 : i32
    %rem3A_6 = arith.constant 8 : i32
    %rem3A_7 = arith.remsi %rem3A, %rem3A_6 : i32
    %mul3A_8 = arith.constant 16 : i32
    %mul3A_9 = arith.muli %rem3A_7, %mul3A_8 : i32
    %dma_start3A = arith.constant 0 : i32
    %dma_start3A_10 = tpu.memref_slice %arg5[%dma_start3A, %mul3A_9] : memref<50x128xi32, #tpu.memory_space<vmem>> -> memref<1x16xi32, #tpu.memory_space<vmem>>
    %dma_start3A_11 = tpu.memref_squeeze %dma_start3A_10 : memref<1x16xi32, #tpu.memory_space<vmem>> -> memref<16xi32, #tpu.memory_space<vmem>>
    %dma_start3A_12 = arith.constant 0 : i32
    %dma_start3A_13 = arith.constant 0 : i32
    %dma_start3A_14 = tpu.memref_slice %arg2[%dma_start3A_12, %dma_start3A_13] : memref<1000x1000xf32, #tpu.memory_space<hbm>> -> memref<1000x1000xf32, #tpu.memory_space<hbm>>
    tpu.enqueue_indirect_dma source(%dma_start3A_14 : memref<1000x1000xf32, #tpu.memory_space<hbm>>) target(%arg6 : memref<16x1000xf32, #tpu.memory_space<vmem>>) offsets(%dma_start3A_11 : memref<16xi32, #tpu.memory_space<vmem>>) semaphore(%arg12 : memref<!tpu.dma_semaphore, #tpu.memory_space<semaphore_mem>>)
    %rem3A_15 = arith.constant 1 : i32
    %rem3A_16 = arith.constant 8 : i32
    %rem3A_17 = arith.remsi %rem3A_15, %rem3A_16 : i32
    %mul3A_18 = arith.constant 16 : i32
    %mul3A_19 = arith.muli %rem3A_17, %mul3A_18 : i32
    %dma_start3A_20 = arith.constant 0 : i32
    %dma_start3A_21 = tpu.memref_slice %arg5[%dma_start3A_20, %mul3A_19] : memref<50x128xi32, #tpu.memory_space<vmem>> -> memref<1x16xi32, #tpu.memory_space<vmem>>
    %dma_start3A_22 = tpu.memref_squeeze %dma_start3A_21 : memref<1x16xi32, #tpu.memory_space<vmem>> -> memref<16xi32, #tpu.memory_space<vmem>>
    %dma_start3A_23 = arith.constant 0 : i32
    %dma_start3A_24 = arith.constant 0 : i32
    %dma_start3A_25 = tpu.memref_slice %arg2[%dma_start3A_23, %dma_start3A_24] : memref<1000x1000xf32, #tpu.memory_space<hbm>> -> memref<1000x1000xf32, #tpu.memory_space<hbm>>
    tpu.enqueue_indirect_dma source(%dma_start3A_25 : memref<1000x1000xf32, #tpu.memory_space<hbm>>) target(%arg7 : memref<16x1000xf32, #tpu.memory_space<vmem>>) offsets(%dma_start3A_22 : memref<16xi32, #tpu.memory_space<vmem>>) semaphore(%arg13 : memref<!tpu.dma_semaphore, #tpu.memory_space<semaphore_mem>>)
    %rem3A_26 = arith.constant 2 : i32
    %rem3A_27 = arith.constant 8 : i32
    %rem3A_28 = arith.remsi %rem3A_26, %rem3A_27 : i32
    %mul3A_29 = arith.constant 16 : i32
    %mul3A_30 = arith.muli %rem3A_28, %mul3A_29 : i32
    %dma_start3A_31 = arith.constant 0 : i32
    %dma_start3A_32 = tpu.memref_slice %arg5[%dma_start3A_31, %mul3A_30] : memref<50x128xi32, #tpu.memory_space<vmem>> -> memref<1x16xi32, #tpu.memory_space<vmem>>
    %dma_start3A_33 = tpu.memref_squeeze %dma_start3A_32 : memref<1x16xi32, #tpu.memory_space<vmem>> -> memref<16xi32, #tpu.memory_space<vmem>>
    %dma_start3A_34 = arith.constant 0 : i32
    %dma_start3A_35 = arith.constant 0 : i32
    %dma_start3A_36 = tpu.memref_slice %arg2[%dma_start3A_34, %dma_start3A_35] : memref<1000x1000xf32, #tpu.memory_space<hbm>> -> memref<1000x1000xf32, #tpu.memory_space<hbm>>
    tpu.enqueue_indirect_dma source(%dma_start3A_36 : memref<1000x1000xf32, #tpu.memory_space<hbm>>) target(%arg8 : memref<16x1000xf32, #tpu.memory_space<vmem>>) offsets(%dma_start3A_33 : memref<16xi32, #tpu.memory_space<vmem>>) semaphore(%arg14 : memref<!tpu.dma_semaphore, #tpu.memory_space<semaphore_mem>>)
    %scan3A = arith.constant 0 : i32
    %scan3A_37 = arith.constant 0 : i32
    %scan3A_38 = arith.constant 134 : i32
    %scan3A_39 = arith.addi %scan3A_37, %scan3A_38 : i32
    %scan3A_40 = arith.constant 1 : i32
    scf.for %scan3A_83 = %scan3A_37 to %scan3A_39 step %scan3A_40  : i32 {
      %mul3A_84 = arith.constant 3 : i32
      %mul3A_85 = arith.muli %scan3A_83, %mul3A_84 : i32
      %add3A_86 = arith.constant 0 : i32
      %add3A_87 = arith.addi %mul3A_85, %add3A_86 : i32
      %lt3A = arith.constant 400 : i32
      %lt3A_88 = arith.cmpi slt, %add3A_87, %lt3A : i32
      %convert_element_type3A = arith.extui %lt3A_88 : i1 to i32
      %cond3A = arith.constant 0 : i32
      %cond3A_89 = arith.cmpi ne, %convert_element_type3A, %cond3A : i32
      scf.if %cond3A_89 {
        %jit3A = arith.constant 8 : i32
        %div3A = arith.divsi %add3A_87, %jit3A : i32
        %sign3A = arith.constant 0 : i32
        %sign3A_108 = arith.cmpi sgt, %add3A_87, %sign3A : i32
        %sign3A_109 = arith.extui %sign3A_108 : i1 to i32
        %sign3A_110 = arith.constant 0 : i32
        %sign3A_111 = arith.cmpi slt, %add3A_87, %sign3A_110 : i32
        %sign3A_112 = arith.extui %sign3A_111 : i1 to i32
        %sign3A_113 = arith.subi %sign3A_109, %sign3A_112 : i32
        %sign3A_114 = arith.constant 0 : i32
        %sign3A_115 = arith.cmpi sgt, %jit3A, %sign3A_114 : i32
        %sign3A_116 = arith.extui %sign3A_115 : i1 to i32
        %sign3A_117 = arith.constant 0 : i32
        %sign3A_118 = arith.cmpi slt, %jit3A, %sign3A_117 : i32
        %sign3A_119 = arith.extui %sign3A_118 : i1 to i32
        %sign3A_120 = arith.subi %sign3A_116, %sign3A_119 : i32
        %ne3A = arith.cmpi ne, %sign3A_113, %sign3A_120 : i32
        %rem3A_121 = arith.remsi %add3A_87, %jit3A : i32
        %ne3A_122 = arith.constant 0 : i32
        %ne3A_123 = arith.cmpi ne, %rem3A_121, %ne3A_122 : i32
        %and3A = arith.andi %ne3A, %ne3A_123 : i1
        %sub3A = arith.constant 1 : i32
        %sub3A_124 = arith.subi %div3A, %sub3A : i32
        %select_n3A = arith.select %and3A, %sub3A_124, %div3A : i32
        %rem3A_125 = arith.constant 8 : i32
        %rem3A_126 = arith.remsi %add3A_87, %rem3A_125 : i32
        %mul3A_127 = arith.constant 16 : i32
        %mul3A_128 = arith.muli %rem3A_126, %mul3A_127 : i32
        %dma_wait3A_129 = tpu.memref_slice %arg5[%select_n3A, %mul3A_128] : memref<50x128xi32, #tpu.memory_space<vmem>> -> memref<1x16xi32, #tpu.memory_space<vmem>>
        %dma_wait3A_130 = tpu.memref_squeeze %dma_wait3A_129 : memref<1x16xi32, #tpu.memory_space<vmem>> -> memref<16xi32, #tpu.memory_space<vmem>>
        %dma_wait3A_131 = arith.constant 0 : i32
        %dma_wait3A_132 = arith.constant 0 : i32
        %dma_wait3A_133 = tpu.memref_slice %arg2[%dma_wait3A_131, %dma_wait3A_132] : memref<1000x1000xf32, #tpu.memory_space<hbm>> -> memref<1000x1000xf32, #tpu.memory_space<hbm>>
        tpu.wait_indirect_dma semaphore(%arg12 : memref<!tpu.dma_semaphore, #tpu.memory_space<semaphore_mem>>) src(%dma_wait3A_133 : memref<1000x1000xf32, #tpu.memory_space<hbm>>) dst(%arg6 : memref<16x1000xf32, #tpu.memory_space<vmem>>)
        %ge3A = arith.constant 3 : i32
        %ge3A_134 = arith.cmpi sge, %add3A_87, %ge3A : i32
        %convert_element_type3A_135 = arith.extui %ge3A_134 : i1 to i32
        %cond3A_136 = arith.constant 0 : i32
        %cond3A_137 = arith.cmpi ne, %convert_element_type3A_135, %cond3A_136 : i32
        scf.if %cond3A_137 {
          %jit3A_183 = arith.constant 8 : i32
          %div3A_184 = arith.divsi %add3A_87, %jit3A_183 : i32
          %sign3A_185 = arith.constant 0 : i32
          %sign3A_186 = arith.cmpi sgt, %add3A_87, %sign3A_185 : i32
          %sign3A_187 = arith.extui %sign3A_186 : i1 to i32
          %sign3A_188 = arith.constant 0 : i32
          %sign3A_189 = arith.cmpi slt, %add3A_87, %sign3A_188 : i32
          %sign3A_190 = arith.extui %sign3A_189 : i1 to i32
          %sign3A_191 = arith.subi %sign3A_187, %sign3A_190 : i32
          %sign3A_192 = arith.constant 0 : i32
          %sign3A_193 = arith.cmpi sgt, %jit3A_183, %sign3A_192 : i32
          %sign3A_194 = arith.extui %sign3A_193 : i1 to i32
          %sign3A_195 = arith.constant 0 : i32
          %sign3A_196 = arith.cmpi slt, %jit3A_183, %sign3A_195 : i32
          %sign3A_197 = arith.extui %sign3A_196 : i1 to i32
          %sign3A_198 = arith.subi %sign3A_194, %sign3A_197 : i32
          %ne3A_199 = arith.cmpi ne, %sign3A_191, %sign3A_198 : i32
          %rem3A_200 = arith.remsi %add3A_87, %jit3A_183 : i32
          %ne3A_201 = arith.constant 0 : i32
          %ne3A_202 = arith.cmpi ne, %rem3A_200, %ne3A_201 : i32
          %and3A_203 = arith.andi %ne3A_199, %ne3A_202 : i1
          %sub3A_204 = arith.constant 1 : i32
          %sub3A_205 = arith.subi %div3A_184, %sub3A_204 : i32
          %select_n3A_206 = arith.select %and3A_203, %sub3A_205, %div3A_184 : i32
          %rem3A_207 = arith.constant 8 : i32
          %rem3A_208 = arith.remsi %add3A_87, %rem3A_207 : i32
          %mul3A_209 = arith.constant 16 : i32
          %mul3A_210 = arith.muli %rem3A_208, %mul3A_209 : i32
          %dma_wait3A_211 = arith.constant 0 : i32
          %dma_wait3A_212 = arith.constant 0 : i32
          %dma_wait3A_213 = tpu.memref_slice %arg4[%select_n3A_206, %dma_wait3A_211, %add3A, %dma_wait3A_212, %mul3A_210] : memref<50x125x32x8x128xf32, #tpu.memory_space<hbm>> -> memref<1x125x1x8x16xf32, #tpu.memory_space<hbm>>
          %dma_wait3A_214 = tpu.memref_squeeze %dma_wait3A_213 : memref<1x125x1x8x16xf32, #tpu.memory_space<hbm>> -> memref<125x8x16xf32, #tpu.memory_space<hbm>>
          %dma_wait3A_215 = arith.constant 0 : i32
          %dma_wait3A_216 = arith.constant 0 : i32
          %dma_wait3A_217 = tpu.memref_slice %arg4[%select_n3A_206, %dma_wait3A_215, %add3A, %dma_wait3A_216, %mul3A_210] : memref<50x125x32x8x128xf32, #tpu.memory_space<hbm>> -> memref<1x125x1x8x16xf32, #tpu.memory_space<hbm>>
          %dma_wait3A_218 = tpu.memref_squeeze %dma_wait3A_217 : memref<1x125x1x8x16xf32, #tpu.memory_space<hbm>> -> memref<125x8x16xf32, #tpu.memory_space<hbm>>
          tpu.wait_dma2 semaphore(%arg15 : memref<!tpu.dma_semaphore, #tpu.memory_space<semaphore_mem>>) src(%arg9 : memref<125x8x16xf32, #tpu.memory_space<vmem>>) dst(%dma_wait3A_218 : memref<125x8x16xf32, #tpu.memory_space<hbm>>)
        } else {
        }
        %parallel_loop3A = arith.constant 0 : i32
        %parallel_loop3A_138 = arith.constant 125 : i32
        %parallel_loop3A_139 = arith.constant 1 : i32
        scf.for %parallel_loop3A_183 = %parallel_loop3A to %parallel_loop3A_138 step %parallel_loop3A_139  : i32 {
          %parallel_loop3A_184 = arith.constant 8 : i32
          %parallel_loop3A_185 = arith.muli %parallel_loop3A_183, %parallel_loop3A_184 : i32
          %parallel_loop3A_186 = arith.constant 0 : i32
          %parallel_loop3A_187 = arith.addi %parallel_loop3A_185, %parallel_loop3A_186 : i32
          %parallel_loop3A_188 = vector.broadcast %parallel_loop3A_187 : i32 to vector<16xi32>
          %parallel_loop3A_189 = tpu.vector_load_idx %arg6[%add3A_3, %parallel_loop3A_188] : memref<16x1000xf32, #tpu.memory_space<vmem>>[vector<16xi32>, vector<16xi32>], vector<16xf32>,
          %parallel_loop3A_190 = arith.constant 0 : i32
          %parallel_loop3A_191 = arith.index_cast %parallel_loop3A_183 : i32 to index
          %parallel_loop3A_192 = arith.index_cast %parallel_loop3A_190 : i32 to index
          %parallel_loop3A_193 = arith.constant 0 : index
          %parallel_loop3A_194 = tpu.vector_load %arg9[%parallel_loop3A_191, %parallel_loop3A_192, %parallel_loop3A_193] {strides = array<i32>} : memref<125x8x16xf32, #tpu.memory_space<vmem>>, vector<16xf32>,
          tpu.vector_store %arg9[%parallel_loop3A_191, %parallel_loop3A_192, %parallel_loop3A_193], %parallel_loop3A_189 {strides = array<i32>} : memref<125x8x16xf32, #tpu.memory_space<vmem>>, vector<16xf32>,
          %parallel_loop3A_195 = arith.constant 8 : i32
          %parallel_loop3A_196 = arith.muli %parallel_loop3A_183, %parallel_loop3A_195 : i32
          %parallel_loop3A_197 = arith.constant 1 : i32
          %parallel_loop3A_198 = arith.addi %parallel_loop3A_196, %parallel_loop3A_197 : i32
          %parallel_loop3A_199 = vector.broadcast %parallel_loop3A_198 : i32 to vector<16xi32>
          %parallel_loop3A_200 = tpu.vector_load_idx %arg6[%add3A_3, %parallel_loop3A_199] : memref<16x1000xf32, #tpu.memory_space<vmem>>[vector<16xi32>, vector<16xi32>], vector<16xf32>,
          %parallel_loop3A_201 = arith.constant 1 : i32
          %parallel_loop3A_202 = arith.index_cast %parallel_loop3A_183 : i32 to index
          %parallel_loop3A_203 = arith.index_cast %parallel_loop3A_201 : i32 to index
          %parallel_loop3A_204 = arith.constant 0 : index
          %parallel_loop3A_205 = tpu.vector_load %arg9[%parallel_loop3A_202, %parallel_loop3A_203, %parallel_loop3A_204] {strides = array<i32>} : memref<125x8x16xf32, #tpu.memory_space<vmem>>, vector<16xf32>,
          tpu.vector_store %arg9[%parallel_loop3A_202, %parallel_loop3A_203, %parallel_loop3A_204], %parallel_loop3A_200 {strides = array<i32>} : memref<125x8x16xf32, #tpu.memory_space<vmem>>, vector<16xf32>,
          %parallel_loop3A_206 = arith.constant 8 : i32
          %parallel_loop3A_207 = arith.muli %parallel_loop3A_183, %parallel_loop3A_206 : i32
          %parallel_loop3A_208 = arith.constant 2 : i32
          %parallel_loop3A_209 = arith.addi %parallel_loop3A_207, %parallel_loop3A_208 : i32
          %parallel_loop3A_210 = vector.broadcast %parallel_loop3A_209 : i32 to vector<16xi32>
          %parallel_loop3A_211 = tpu.vector_load_idx %arg6[%add3A_3, %parallel_loop3A_210] : memref<16x1000xf32, #tpu.memory_space<vmem>>[vector<16xi32>, vector<16xi32>], vector<16xf32>,
          %parallel_loop3A_212 = arith.constant 2 : i32
          %parallel_loop3A_213 = arith.index_cast %parallel_loop3A_183 : i32 to index
          %parallel_loop3A_214 = arith.index_cast %parallel_loop3A_212 : i32 to index
          %parallel_loop3A_215 = arith.constant 0 : index
          %parallel_loop3A_216 = tpu.vector_load %arg9[%parallel_loop3A_213, %parallel_loop3A_214, %parallel_loop3A_215] {strides = array<i32>} : memref<125x8x16xf32, #tpu.memory_space<vmem>>, vector<16xf32>,
          tpu.vector_store %arg9[%parallel_loop3A_213, %parallel_loop3A_214, %parallel_loop3A_215], %parallel_loop3A_211 {strides = array<i32>} : memref<125x8x16xf32, #tpu.memory_space<vmem>>, vector<16xf32>,
          %parallel_loop3A_217 = arith.constant 8 : i32
          %parallel_loop3A_218 = arith.muli %parallel_loop3A_183, %parallel_loop3A_217 : i32
          %parallel_loop3A_219 = arith.constant 3 : i32
          %parallel_loop3A_220 = arith.addi %parallel_loop3A_218, %parallel_loop3A_219 : i32
          %parallel_loop3A_221 = vector.broadcast %parallel_loop3A_220 : i32 to vector<16xi32>
          %parallel_loop3A_222 = tpu.vector_load_idx %arg6[%add3A_3, %parallel_loop3A_221] : memref<16x1000xf32, #tpu.memory_space<vmem>>[vector<16xi32>, vector<16xi32>], vector<16xf32>,
          %parallel_loop3A_223 = arith.constant 3 : i32
          %parallel_loop3A_224 = arith.index_cast %parallel_loop3A_183 : i32 to index
          %parallel_loop3A_225 = arith.index_cast %parallel_loop3A_223 : i32 to index
          %parallel_loop3A_226 = arith.constant 0 : index
          %parallel_loop3A_227 = tpu.vector_load %arg9[%parallel_loop3A_224, %parallel_loop3A_225, %parallel_loop3A_226] {strides = array<i32>} : memref<125x8x16xf32, #tpu.memory_space<vmem>>, vector<16xf32>,
          tpu.vector_store %arg9[%parallel_loop3A_224, %parallel_loop3A_225, %parallel_loop3A_226], %parallel_loop3A_222 {strides = array<i32>} : memref<125x8x16xf32, #tpu.memory_space<vmem>>, vector<16xf32>,
          %parallel_loop3A_228 = arith.constant 8 : i32
          %parallel_loop3A_229 = arith.muli %parallel_loop3A_183, %parallel_loop3A_228 : i32
          %parallel_loop3A_230 = arith.constant 4 : i32
          %parallel_loop3A_231 = arith.addi %parallel_loop3A_229, %parallel_loop3A_230 : i32
          %parallel_loop3A_232 = vector.broadcast %parallel_loop3A_231 : i32 to vector<16xi32>
          %parallel_loop3A_233 = tpu.vector_load_idx %arg6[%add3A_3, %parallel_loop3A_232] : memref<16x1000xf32, #tpu.memory_space<vmem>>[vector<16xi32>, vector<16xi32>], vector<16xf32>,
          %parallel_loop3A_234 = arith.constant 4 : i32
          %parallel_loop3A_235 = arith.index_cast %parallel_loop3A_183 : i32 to index
          %parallel_loop3A_236 = arith.index_cast %parallel_loop3A_234 : i32 to index
          %parallel_loop3A_237 = arith.constant 0 : index
          %parallel_loop3A_238 = tpu.vector_load %arg9[%parallel_loop3A_235, %parallel_loop3A_236, %parallel_loop3A_237] {strides = array<i32>} : memref<125x8x16xf32, #tpu.memory_space<vmem>>, vector<16xf32>,
          tpu.vector_store %arg9[%parallel_loop3A_235, %parallel_loop3A_236, %parallel_loop3A_237], %parallel_loop3A_233 {strides = array<i32>} : memref<125x8x16xf32, #tpu.memory_space<vmem>>, vector<16xf32>,
          %parallel_loop3A_239 = arith.constant 8 : i32
          %parallel_loop3A_240 = arith.muli %parallel_loop3A_183, %parallel_loop3A_239 : i32
          %parallel_loop3A_241 = arith.constant 5 : i32
          %parallel_loop3A_242 = arith.addi %parallel_loop3A_240, %parallel_loop3A_241 : i32
          %parallel_loop3A_243 = vector.broadcast %parallel_loop3A_242 : i32 to vector<16xi32>
          %parallel_loop3A_244 = tpu.vector_load_idx %arg6[%add3A_3, %parallel_loop3A_243] : memref<16x1000xf32, #tpu.memory_space<vmem>>[vector<16xi32>, vector<16xi32>], vector<16xf32>,
          %parallel_loop3A_245 = arith.constant 5 : i32
          %parallel_loop3A_246 = arith.index_cast %parallel_loop3A_183 : i32 to index
          %parallel_loop3A_247 = arith.index_cast %parallel_loop3A_245 : i32 to index
          %parallel_loop3A_248 = arith.constant 0 : index
          %parallel_loop3A_249 = tpu.vector_load %arg9[%parallel_loop3A_246, %parallel_loop3A_247, %parallel_loop3A_248] {strides = array<i32>} : memref<125x8x16xf32, #tpu.memory_space<vmem>>, vector<16xf32>,
          tpu.vector_store %arg9[%parallel_loop3A_246, %parallel_loop3A_247, %parallel_loop3A_248], %parallel_loop3A_244 {strides = array<i32>} : memref<125x8x16xf32, #tpu.memory_space<vmem>>, vector<16xf32>,
          %parallel_loop3A_250 = arith.constant 8 : i32
          %parallel_loop3A_251 = arith.muli %parallel_loop3A_183, %parallel_loop3A_250 : i32
          %parallel_loop3A_252 = arith.constant 6 : i32
          %parallel_loop3A_253 = arith.addi %parallel_loop3A_251, %parallel_loop3A_252 : i32
          %parallel_loop3A_254 = vector.broadcast %parallel_loop3A_253 : i32 to vector<16xi32>
          %parallel_loop3A_255 = tpu.vector_load_idx %arg6[%add3A_3, %parallel_loop3A_254] : memref<16x1000xf32, #tpu.memory_space<vmem>>[vector<16xi32>, vector<16xi32>], vector<16xf32>,
          %parallel_loop3A_256 = arith.constant 6 : i32
          %parallel_loop3A_257 = arith.index_cast %parallel_loop3A_183 : i32 to index
          %parallel_loop3A_258 = arith.index_cast %parallel_loop3A_256 : i32 to index
          %parallel_loop3A_259 = arith.constant 0 : index
          %parallel_loop3A_260 = tpu.vector_load %arg9[%parallel_loop3A_257, %parallel_loop3A_258, %parallel_loop3A_259] {strides = array<i32>} : memref<125x8x16xf32, #tpu.memory_space<vmem>>, vector<16xf32>,
          tpu.vector_store %arg9[%parallel_loop3A_257, %parallel_loop3A_258, %parallel_loop3A_259], %parallel_loop3A_255 {strides = array<i32>} : memref<125x8x16xf32, #tpu.memory_space<vmem>>, vector<16xf32>,
          %parallel_loop3A_261 = arith.constant 8 : i32
          %parallel_loop3A_262 = arith.muli %parallel_loop3A_183, %parallel_loop3A_261 : i32
          %parallel_loop3A_263 = arith.constant 7 : i32
          %parallel_loop3A_264 = arith.addi %parallel_loop3A_262, %parallel_loop3A_263 : i32
          %parallel_loop3A_265 = vector.broadcast %parallel_loop3A_264 : i32 to vector<16xi32>
          %parallel_loop3A_266 = tpu.vector_load_idx %arg6[%add3A_3, %parallel_loop3A_265] : memref<16x1000xf32, #tpu.memory_space<vmem>>[vector<16xi32>, vector<16xi32>], vector<16xf32>,
          %parallel_loop3A_267 = arith.constant 7 : i32
          %parallel_loop3A_268 = arith.index_cast %parallel_loop3A_183 : i32 to index
          %parallel_loop3A_269 = arith.index_cast %parallel_loop3A_267 : i32 to index
          %parallel_loop3A_270 = arith.constant 0 : index
          %parallel_loop3A_271 = tpu.vector_load %arg9[%parallel_loop3A_268, %parallel_loop3A_269, %parallel_loop3A_270] {strides = array<i32>} : memref<125x8x16xf32, #tpu.memory_space<vmem>>, vector<16xf32>,
          tpu.vector_store %arg9[%parallel_loop3A_268, %parallel_loop3A_269, %parallel_loop3A_270], %parallel_loop3A_266 {strides = array<i32>} : memref<125x8x16xf32, #tpu.memory_space<vmem>>, vector<16xf32>,
        } {sc.loop_unroll_factor = 4 : i64, sc.parallel_access}
        %jit3A_140 = arith.constant 8 : i32
        %div3A_141 = arith.divsi %add3A_87, %jit3A_140 : i32
        %sign3A_142 = arith.constant 0 : i32
        %sign3A_143 = arith.cmpi sgt, %add3A_87, %sign3A_142 : i32
        %sign3A_144 = arith.extui %sign3A_143 : i1 to i32
        %sign3A_145 = arith.constant 0 : i32
        %sign3A_146 = arith.cmpi slt, %add3A_87, %sign3A_145 : i32
        %sign3A_147 = arith.extui %sign3A_146 : i1 to i32
        %sign3A_148 = arith.subi %sign3A_144, %sign3A_147 : i32
        %sign3A_149 = arith.constant 0 : i32
        %sign3A_150 = arith.cmpi sgt, %jit3A_140, %sign3A_149 : i32
        %sign3A_151 = arith.extui %sign3A_150 : i1 to i32
        %sign3A_152 = arith.constant 0 : i32
        %sign3A_153 = arith.cmpi slt, %jit3A_140, %sign3A_152 : i32
        %sign3A_154 = arith.extui %sign3A_153 : i1 to i32
        %sign3A_155 = arith.subi %sign3A_151, %sign3A_154 : i32
        %ne3A_156 = arith.cmpi ne, %sign3A_148, %sign3A_155 : i32
        %rem3A_157 = arith.remsi %add3A_87, %jit3A_140 : i32
        %ne3A_158 = arith.constant 0 : i32
        %ne3A_159 = arith.cmpi ne, %rem3A_157, %ne3A_158 : i32
        %and3A_160 = arith.andi %ne3A_156, %ne3A_159 : i1
        %sub3A_161 = arith.constant 1 : i32
        %sub3A_162 = arith.subi %div3A_141, %sub3A_161 : i32
        %select_n3A_163 = arith.select %and3A_160, %sub3A_162, %div3A_141 : i32
        %rem3A_164 = arith.constant 8 : i32
        %rem3A_165 = arith.remsi %add3A_87, %rem3A_164 : i32
        %mul3A_166 = arith.constant 16 : i32
        %mul3A_167 = arith.muli %rem3A_165, %mul3A_166 : i32
        %dma_start3A_168 = arith.constant 0 : i32
        %dma_start3A_169 = arith.constant 0 : i32
        %dma_start3A_170 = tpu.memref_slice %arg4[%select_n3A_163, %dma_start3A_168, %add3A, %dma_start3A_169, %mul3A_167] : memref<50x125x32x8x128xf32, #tpu.memory_space<hbm>> -> memref<1x125x1x8x16xf32, #tpu.memory_space<hbm>>
        %dma_start3A_171 = tpu.memref_squeeze %dma_start3A_170 : memref<1x125x1x8x16xf32, #tpu.memory_space<hbm>> -> memref<125x8x16xf32, #tpu.memory_space<hbm>>
        %dma_start3A_172 = arith.constant 0 : i32
        %dma_start3A_173 = arith.constant 0 : i32
        %dma_start3A_174 = tpu.memref_slice %arg4[%select_n3A_163, %dma_start3A_172, %add3A, %dma_start3A_173, %mul3A_167] : memref<50x125x32x8x128xf32, #tpu.memory_space<hbm>> -> memref<1x125x1x8x16xf32, #tpu.memory_space<hbm>>
        %dma_start3A_175 = tpu.memref_squeeze %dma_start3A_174 : memref<1x125x1x8x16xf32, #tpu.memory_space<hbm>> -> memref<125x8x16xf32, #tpu.memory_space<hbm>>
        tpu.enqueue_dma source(%arg9 : memref<125x8x16xf32, #tpu.memory_space<vmem>>) target(%dma_start3A_175 : memref<125x8x16xf32, #tpu.memory_space<hbm>>) target_semaphore(%arg15 : memref<!tpu.dma_semaphore, #tpu.memory_space<semaphore_mem>>)
        %add3A_176 = arith.constant 3 : i32
        %add3A_177 = arith.addi %add3A_87, %add3A_176 : i32
        %lt3A_178 = arith.constant 400 : i32
        %lt3A_179 = arith.cmpi slt, %add3A_177, %lt3A_178 : i32
        %convert_element_type3A_180 = arith.extui %lt3A_179 : i1 to i32
        %cond3A_181 = arith.constant 0 : i32
        %cond3A_182 = arith.cmpi ne, %convert_element_type3A_180, %cond3A_181 : i32
        scf.if %cond3A_182 {
          %add3A_183 = arith.constant 3 : i32
          %add3A_184 = arith.addi %add3A_87, %add3A_183 : i32
          %jit3A_185 = arith.constant 8 : i32
          %div3A_186 = arith.divsi %add3A_184, %jit3A_185 : i32
          %sign3A_187 = arith.constant 0 : i32
          %sign3A_188 = arith.cmpi sgt, %add3A_184, %sign3A_187 : i32
          %sign3A_189 = arith.extui %sign3A_188 : i1 to i32
          %sign3A_190 = arith.constant 0 : i32
          %sign3A_191 = arith.cmpi slt, %add3A_184, %sign3A_190 : i32
          %sign3A_192 = arith.extui %sign3A_191 : i1 to i32
          %sign3A_193 = arith.subi %sign3A_189, %sign3A_192 : i32
          %sign3A_194 = arith.constant 0 : i32
          %sign3A_195 = arith.cmpi sgt, %jit3A_185, %sign3A_194 : i32
          %sign3A_196 = arith.extui %sign3A_195 : i1 to i32
          %sign3A_197 = arith.constant 0 : i32
          %sign3A_198 = arith.cmpi slt, %jit3A_185, %sign3A_197 : i32
          %sign3A_199 = arith.extui %sign3A_198 : i1 to i32
          %sign3A_200 = arith.subi %sign3A_196, %sign3A_199 : i32
          %ne3A_201 = arith.cmpi ne, %sign3A_193, %sign3A_200 : i32
          %rem3A_202 = arith.remsi %add3A_184, %jit3A_185 : i32
          %ne3A_203 = arith.constant 0 : i32
          %ne3A_204 = arith.cmpi ne, %rem3A_202, %ne3A_203 : i32
          %and3A_205 = arith.andi %ne3A_201, %ne3A_204 : i1
          %sub3A_206 = arith.constant 1 : i32
          %sub3A_207 = arith.subi %div3A_186, %sub3A_206 : i32
          %select_n3A_208 = arith.select %and3A_205, %sub3A_207, %div3A_186 : i32
          %rem3A_209 = arith.constant 8 : i32
          %rem3A_210 = arith.remsi %add3A_184, %rem3A_209 : i32
          %mul3A_211 = arith.constant 16 : i32
          %mul3A_212 = arith.muli %rem3A_210, %mul3A_211 : i32
          %dma_start3A_213 = tpu.memref_slice %arg5[%select_n3A_208, %mul3A_212] : memref<50x128xi32, #tpu.memory_space<vmem>> -> memref<1x16xi32, #tpu.memory_space<vmem>>
          %dma_start3A_214 = tpu.memref_squeeze %dma_start3A_213 : memref<1x16xi32, #tpu.memory_space<vmem>> -> memref<16xi32, #tpu.memory_space<vmem>>
          %dma_start3A_215 = arith.constant 0 : i32
          %dma_start3A_216 = arith.constant 0 : i32
          %dma_start3A_217 = tpu.memref_slice %arg2[%dma_start3A_215, %dma_start3A_216] : memref<1000x1000xf32, #tpu.memory_space<hbm>> -> memref<1000x1000xf32, #tpu.memory_space<hbm>>
          tpu.enqueue_indirect_dma source(%dma_start3A_217 : memref<1000x1000xf32, #tpu.memory_space<hbm>>) target(%arg6 : memref<16x1000xf32, #tpu.memory_space<vmem>>) offsets(%dma_start3A_214 : memref<16xi32, #tpu.memory_space<vmem>>) semaphore(%arg12 : memref<!tpu.dma_semaphore, #tpu.memory_space<semaphore_mem>>)
        } else {
        }
      } else {
      }
      %mul3A_90 = arith.constant 3 : i32
      %mul3A_91 = arith.muli %scan3A_83, %mul3A_90 : i32
      %add3A_92 = arith.constant 1 : i32
      %add3A_93 = arith.addi %mul3A_91, %add3A_92 : i32
      %lt3A_94 = arith.constant 400 : i32
      %lt3A_95 = arith.cmpi slt, %add3A_93, %lt3A_94 : i32
      %convert_element_type3A_96 = arith.extui %lt3A_95 : i1 to i32
      %cond3A_97 = arith.constant 0 : i32
      %cond3A_98 = arith.cmpi ne, %convert_element_type3A_96, %cond3A_97 : i32
      scf.if %cond3A_98 {
        %jit3A = arith.constant 8 : i32
        %div3A = arith.divsi %add3A_93, %jit3A : i32
        %sign3A = arith.constant 0 : i32
        %sign3A_108 = arith.cmpi sgt, %add3A_93, %sign3A : i32
        %sign3A_109 = arith.extui %sign3A_108 : i1 to i32
        %sign3A_110 = arith.constant 0 : i32
        %sign3A_111 = arith.cmpi slt, %add3A_93, %sign3A_110 : i32
        %sign3A_112 = arith.extui %sign3A_111 : i1 to i32
        %sign3A_113 = arith.subi %sign3A_109, %sign3A_112 : i32
        %sign3A_114 = arith.constant 0 : i32
        %sign3A_115 = arith.cmpi sgt, %jit3A, %sign3A_114 : i32
        %sign3A_116 = arith.extui %sign3A_115 : i1 to i32
        %sign3A_117 = arith.constant 0 : i32
        %sign3A_118 = arith.cmpi slt, %jit3A, %sign3A_117 : i32
        %sign3A_119 = arith.extui %sign3A_118 : i1 to i32
        %sign3A_120 = arith.subi %sign3A_116, %sign3A_119 : i32
        %ne3A = arith.cmpi ne, %sign3A_113, %sign3A_120 : i32
        %rem3A_121 = arith.remsi %add3A_93, %jit3A : i32
        %ne3A_122 = arith.constant 0 : i32
        %ne3A_123 = arith.cmpi ne, %rem3A_121, %ne3A_122 : i32
        %and3A = arith.andi %ne3A, %ne3A_123 : i1
        %sub3A = arith.constant 1 : i32
        %sub3A_124 = arith.subi %div3A, %sub3A : i32
        %select_n3A = arith.select %and3A, %sub3A_124, %div3A : i32
        %rem3A_125 = arith.constant 8 : i32
        %rem3A_126 = arith.remsi %add3A_93, %rem3A_125 : i32
        %mul3A_127 = arith.constant 16 : i32
        %mul3A_128 = arith.muli %rem3A_126, %mul3A_127 : i32
        %dma_wait3A_129 = tpu.memref_slice %arg5[%select_n3A, %mul3A_128] : memref<50x128xi32, #tpu.memory_space<vmem>> -> memref<1x16xi32, #tpu.memory_space<vmem>>
        %dma_wait3A_130 = tpu.memref_squeeze %dma_wait3A_129 : memref<1x16xi32, #tpu.memory_space<vmem>> -> memref<16xi32, #tpu.memory_space<vmem>>
        %dma_wait3A_131 = arith.constant 0 : i32
        %dma_wait3A_132 = arith.constant 0 : i32
        %dma_wait3A_133 = tpu.memref_slice %arg2[%dma_wait3A_131, %dma_wait3A_132] : memref<1000x1000xf32, #tpu.memory_space<hbm>> -> memref<1000x1000xf32, #tpu.memory_space<hbm>>
        tpu.wait_indirect_dma semaphore(%arg13 : memref<!tpu.dma_semaphore, #tpu.memory_space<semaphore_mem>>) src(%dma_wait3A_133 : memref<1000x1000xf32, #tpu.memory_space<hbm>>) dst(%arg7 : memref<16x1000xf32, #tpu.memory_space<vmem>>)
        %ge3A = arith.constant 3 : i32
        %ge3A_134 = arith.cmpi sge, %add3A_93, %ge3A : i32
        %convert_element_type3A_135 = arith.extui %ge3A_134 : i1 to i32
        %cond3A_136 = arith.constant 0 : i32
        %cond3A_137 = arith.cmpi ne, %convert_element_type3A_135, %cond3A_136 : i32
        scf.if %cond3A_137 {
          %jit3A_183 = arith.constant 8 : i32
          %div3A_184 = arith.divsi %add3A_93, %jit3A_183 : i32
          %sign3A_185 = arith.constant 0 : i32
          %sign3A_186 = arith.cmpi sgt, %add3A_93, %sign3A_185 : i32
          %sign3A_187 = arith.extui %sign3A_186 : i1 to i32
          %sign3A_188 = arith.constant 0 : i32
          %sign3A_189 = arith.cmpi slt, %add3A_93, %sign3A_188 : i32
          %sign3A_190 = arith.extui %sign3A_189 : i1 to i32
          %sign3A_191 = arith.subi %sign3A_187, %sign3A_190 : i32
          %sign3A_192 = arith.constant 0 : i32
          %sign3A_193 = arith.cmpi sgt, %jit3A_183, %sign3A_192 : i32
          %sign3A_194 = arith.extui %sign3A_193 : i1 to i32
          %sign3A_195 = arith.constant 0 : i32
          %sign3A_196 = arith.cmpi slt, %jit3A_183, %sign3A_195 : i32
          %sign3A_197 = arith.extui %sign3A_196 : i1 to i32
          %sign3A_198 = arith.subi %sign3A_194, %sign3A_197 : i32
          %ne3A_199 = arith.cmpi ne, %sign3A_191, %sign3A_198 : i32
          %rem3A_200 = arith.remsi %add3A_93, %jit3A_183 : i32
          %ne3A_201 = arith.constant 0 : i32
          %ne3A_202 = arith.cmpi ne, %rem3A_200, %ne3A_201 : i32
          %and3A_203 = arith.andi %ne3A_199, %ne3A_202 : i1
          %sub3A_204 = arith.constant 1 : i32
          %sub3A_205 = arith.subi %div3A_184, %sub3A_204 : i32
          %select_n3A_206 = arith.select %and3A_203, %sub3A_205, %div3A_184 : i32
          %rem3A_207 = arith.constant 8 : i32
          %rem3A_208 = arith.remsi %add3A_93, %rem3A_207 : i32
          %mul3A_209 = arith.constant 16 : i32
          %mul3A_210 = arith.muli %rem3A_208, %mul3A_209 : i32
          %dma_wait3A_211 = arith.constant 0 : i32
          %dma_wait3A_212 = arith.constant 0 : i32
          %dma_wait3A_213 = tpu.memref_slice %arg4[%select_n3A_206, %dma_wait3A_211, %add3A, %dma_wait3A_212, %mul3A_210] : memref<50x125x32x8x128xf32, #tpu.memory_space<hbm>> -> memref<1x125x1x8x16xf32, #tpu.memory_space<hbm>>
          %dma_wait3A_214 = tpu.memref_squeeze %dma_wait3A_213 : memref<1x125x1x8x16xf32, #tpu.memory_space<hbm>> -> memref<125x8x16xf32, #tpu.memory_space<hbm>>
          %dma_wait3A_215 = arith.constant 0 : i32
          %dma_wait3A_216 = arith.constant 0 : i32
          %dma_wait3A_217 = tpu.memref_slice %arg4[%select_n3A_206, %dma_wait3A_215, %add3A, %dma_wait3A_216, %mul3A_210] : memref<50x125x32x8x128xf32, #tpu.memory_space<hbm>> -> memref<1x125x1x8x16xf32, #tpu.memory_space<hbm>>
          %dma_wait3A_218 = tpu.memref_squeeze %dma_wait3A_217 : memref<1x125x1x8x16xf32, #tpu.memory_space<hbm>> -> memref<125x8x16xf32, #tpu.memory_space<hbm>>
          tpu.wait_dma2 semaphore(%arg16 : memref<!tpu.dma_semaphore, #tpu.memory_space<semaphore_mem>>) src(%arg10 : memref<125x8x16xf32, #tpu.memory_space<vmem>>) dst(%dma_wait3A_218 : memref<125x8x16xf32, #tpu.memory_space<hbm>>)
        } else {
        }
        %parallel_loop3A = arith.constant 0 : i32
        %parallel_loop3A_138 = arith.constant 125 : i32
        %parallel_loop3A_139 = arith.constant 1 : i32
        scf.for %parallel_loop3A_183 = %parallel_loop3A to %parallel_loop3A_138 step %parallel_loop3A_139  : i32 {
          %parallel_loop3A_184 = arith.constant 8 : i32
          %parallel_loop3A_185 = arith.muli %parallel_loop3A_183, %parallel_loop3A_184 : i32
          %parallel_loop3A_186 = arith.constant 0 : i32
          %parallel_loop3A_187 = arith.addi %parallel_loop3A_185, %parallel_loop3A_186 : i32
          %parallel_loop3A_188 = vector.broadcast %parallel_loop3A_187 : i32 to vector<16xi32>
          %parallel_loop3A_189 = tpu.vector_load_idx %arg7[%add3A_3, %parallel_loop3A_188] : memref<16x1000xf32, #tpu.memory_space<vmem>>[vector<16xi32>, vector<16xi32>], vector<16xf32>,
          %parallel_loop3A_190 = arith.constant 0 : i32
          %parallel_loop3A_191 = arith.index_cast %parallel_loop3A_183 : i32 to index
          %parallel_loop3A_192 = arith.index_cast %parallel_loop3A_190 : i32 to index
          %parallel_loop3A_193 = arith.constant 0 : index
          %parallel_loop3A_194 = tpu.vector_load %arg10[%parallel_loop3A_191, %parallel_loop3A_192, %parallel_loop3A_193] {strides = array<i32>} : memref<125x8x16xf32, #tpu.memory_space<vmem>>, vector<16xf32>,
          tpu.vector_store %arg10[%parallel_loop3A_191, %parallel_loop3A_192, %parallel_loop3A_193], %parallel_loop3A_189 {strides = array<i32>} : memref<125x8x16xf32, #tpu.memory_space<vmem>>, vector<16xf32>,
          %parallel_loop3A_195 = arith.constant 8 : i32
          %parallel_loop3A_196 = arith.muli %parallel_loop3A_183, %parallel_loop3A_195 : i32
          %parallel_loop3A_197 = arith.constant 1 : i32
          %parallel_loop3A_198 = arith.addi %parallel_loop3A_196, %parallel_loop3A_197 : i32
          %parallel_loop3A_199 = vector.broadcast %parallel_loop3A_198 : i32 to vector<16xi32>
          %parallel_loop3A_200 = tpu.vector_load_idx %arg7[%add3A_3, %parallel_loop3A_199] : memref<16x1000xf32, #tpu.memory_space<vmem>>[vector<16xi32>, vector<16xi32>], vector<16xf32>,
          %parallel_loop3A_201 = arith.constant 1 : i32
          %parallel_loop3A_202 = arith.index_cast %parallel_loop3A_183 : i32 to index
          %parallel_loop3A_203 = arith.index_cast %parallel_loop3A_201 : i32 to index
          %parallel_loop3A_204 = arith.constant 0 : index
          %parallel_loop3A_205 = tpu.vector_load %arg10[%parallel_loop3A_202, %parallel_loop3A_203, %parallel_loop3A_204] {strides = array<i32>} : memref<125x8x16xf32, #tpu.memory_space<vmem>>, vector<16xf32>,
          tpu.vector_store %arg10[%parallel_loop3A_202, %parallel_loop3A_203, %parallel_loop3A_204], %parallel_loop3A_200 {strides = array<i32>} : memref<125x8x16xf32, #tpu.memory_space<vmem>>, vector<16xf32>,
          %parallel_loop3A_206 = arith.constant 8 : i32
          %parallel_loop3A_207 = arith.muli %parallel_loop3A_183, %parallel_loop3A_206 : i32
          %parallel_loop3A_208 = arith.constant 2 : i32
          %parallel_loop3A_209 = arith.addi %parallel_loop3A_207, %parallel_loop3A_208 : i32
          %parallel_loop3A_210 = vector.broadcast %parallel_loop3A_209 : i32 to vector<16xi32>
          %parallel_loop3A_211 = tpu.vector_load_idx %arg7[%add3A_3, %parallel_loop3A_210] : memref<16x1000xf32, #tpu.memory_space<vmem>>[vector<16xi32>, vector<16xi32>], vector<16xf32>,
          %parallel_loop3A_212 = arith.constant 2 : i32
          %parallel_loop3A_213 = arith.index_cast %parallel_loop3A_183 : i32 to index
          %parallel_loop3A_214 = arith.index_cast %parallel_loop3A_212 : i32 to index
          %parallel_loop3A_215 = arith.constant 0 : index
          %parallel_loop3A_216 = tpu.vector_load %arg10[%parallel_loop3A_213, %parallel_loop3A_214, %parallel_loop3A_215] {strides = array<i32>} : memref<125x8x16xf32, #tpu.memory_space<vmem>>, vector<16xf32>,
          tpu.vector_store %arg10[%parallel_loop3A_213, %parallel_loop3A_214, %parallel_loop3A_215], %parallel_loop3A_211 {strides = array<i32>} : memref<125x8x16xf32, #tpu.memory_space<vmem>>, vector<16xf32>,
          %parallel_loop3A_217 = arith.constant 8 : i32
          %parallel_loop3A_218 = arith.muli %parallel_loop3A_183, %parallel_loop3A_217 : i32
          %parallel_loop3A_219 = arith.constant 3 : i32
          %parallel_loop3A_220 = arith.addi %parallel_loop3A_218, %parallel_loop3A_219 : i32
          %parallel_loop3A_221 = vector.broadcast %parallel_loop3A_220 : i32 to vector<16xi32>
          %parallel_loop3A_222 = tpu.vector_load_idx %arg7[%add3A_3, %parallel_loop3A_221] : memref<16x1000xf32, #tpu.memory_space<vmem>>[vector<16xi32>, vector<16xi32>], vector<16xf32>,
          %parallel_loop3A_223 = arith.constant 3 : i32
          %parallel_loop3A_224 = arith.index_cast %parallel_loop3A_183 : i32 to index
          %parallel_loop3A_225 = arith.index_cast %parallel_loop3A_223 : i32 to index
          %parallel_loop3A_226 = arith.constant 0 : index
          %parallel_loop3A_227 = tpu.vector_load %arg10[%parallel_loop3A_224, %parallel_loop3A_225, %parallel_loop3A_226] {strides = array<i32>} : memref<125x8x16xf32, #tpu.memory_space<vmem>>, vector<16xf32>,
          tpu.vector_store %arg10[%parallel_loop3A_224, %parallel_loop3A_225, %parallel_loop3A_226], %parallel_loop3A_222 {strides = array<i32>} : memref<125x8x16xf32, #tpu.memory_space<vmem>>, vector<16xf32>,
          %parallel_loop3A_228 = arith.constant 8 : i32
          %parallel_loop3A_229 = arith.muli %parallel_loop3A_183, %parallel_loop3A_228 : i32
          %parallel_loop3A_230 = arith.constant 4 : i32
          %parallel_loop3A_231 = arith.addi %parallel_loop3A_229, %parallel_loop3A_230 : i32
          %parallel_loop3A_232 = vector.broadcast %parallel_loop3A_231 : i32 to vector<16xi32>
          %parallel_loop3A_233 = tpu.vector_load_idx %arg7[%add3A_3, %parallel_loop3A_232] : memref<16x1000xf32, #tpu.memory_space<vmem>>[vector<16xi32>, vector<16xi32>], vector<16xf32>,
          %parallel_loop3A_234 = arith.constant 4 : i32
          %parallel_loop3A_235 = arith.index_cast %parallel_loop3A_183 : i32 to index
          %parallel_loop3A_236 = arith.index_cast %parallel_loop3A_234 : i32 to index
          %parallel_loop3A_237 = arith.constant 0 : index
          %parallel_loop3A_238 = tpu.vector_load %arg10[%parallel_loop3A_235, %parallel_loop3A_236, %parallel_loop3A_237] {strides = array<i32>} : memref<125x8x16xf32, #tpu.memory_space<vmem>>, vector<16xf32>,
          tpu.vector_store %arg10[%parallel_loop3A_235, %parallel_loop3A_236, %parallel_loop3A_237], %parallel_loop3A_233 {strides = array<i32>} : memref<125x8x16xf32, #tpu.memory_space<vmem>>, vector<16xf32>,
          %parallel_loop3A_239 = arith.constant 8 : i32
          %parallel_loop3A_240 = arith.muli %parallel_loop3A_183, %parallel_loop3A_239 : i32
          %parallel_loop3A_241 = arith.constant 5 : i32
          %parallel_loop3A_242 = arith.addi %parallel_loop3A_240, %parallel_loop3A_241 : i32
          %parallel_loop3A_243 = vector.broadcast %parallel_loop3A_242 : i32 to vector<16xi32>
          %parallel_loop3A_244 = tpu.vector_load_idx %arg7[%add3A_3, %parallel_loop3A_243] : memref<16x1000xf32, #tpu.memory_space<vmem>>[vector<16xi32>, vector<16xi32>], vector<16xf32>,
          %parallel_loop3A_245 = arith.constant 5 : i32
          %parallel_loop3A_246 = arith.index_cast %parallel_loop3A_183 : i32 to index
          %parallel_loop3A_247 = arith.index_cast %parallel_loop3A_245 : i32 to index
          %parallel_loop3A_248 = arith.constant 0 : index
          %parallel_loop3A_249 = tpu.vector_load %arg10[%parallel_loop3A_246, %parallel_loop3A_247, %parallel_loop3A_248] {strides = array<i32>} : memref<125x8x16xf32, #tpu.memory_space<vmem>>, vector<16xf32>,
          tpu.vector_store %arg10[%parallel_loop3A_246, %parallel_loop3A_247, %parallel_loop3A_248], %parallel_loop3A_244 {strides = array<i32>} : memref<125x8x16xf32, #tpu.memory_space<vmem>>, vector<16xf32>,
          %parallel_loop3A_250 = arith.constant 8 : i32
          %parallel_loop3A_251 = arith.muli %parallel_loop3A_183, %parallel_loop3A_250 : i32
          %parallel_loop3A_252 = arith.constant 6 : i32
          %parallel_loop3A_253 = arith.addi %parallel_loop3A_251, %parallel_loop3A_252 : i32
          %parallel_loop3A_254 = vector.broadcast %parallel_loop3A_253 : i32 to vector<16xi32>
          %parallel_loop3A_255 = tpu.vector_load_idx %arg7[%add3A_3, %parallel_loop3A_254] : memref<16x1000xf32, #tpu.memory_space<vmem>>[vector<16xi32>, vector<16xi32>], vector<16xf32>,
          %parallel_loop3A_256 = arith.constant 6 : i32
          %parallel_loop3A_257 = arith.index_cast %parallel_loop3A_183 : i32 to index
          %parallel_loop3A_258 = arith.index_cast %parallel_loop3A_256 : i32 to index
          %parallel_loop3A_259 = arith.constant 0 : index
          %parallel_loop3A_260 = tpu.vector_load %arg10[%parallel_loop3A_257, %parallel_loop3A_258, %parallel_loop3A_259] {strides = array<i32>} : memref<125x8x16xf32, #tpu.memory_space<vmem>>, vector<16xf32>,
          tpu.vector_store %arg10[%parallel_loop3A_257, %parallel_loop3A_258, %parallel_loop3A_259], %parallel_loop3A_255 {strides = array<i32>} : memref<125x8x16xf32, #tpu.memory_space<vmem>>, vector<16xf32>,
          %parallel_loop3A_261 = arith.constant 8 : i32
          %parallel_loop3A_262 = arith.muli %parallel_loop3A_183, %parallel_loop3A_261 : i32
          %parallel_loop3A_263 = arith.constant 7 : i32
          %parallel_loop3A_264 = arith.addi %parallel_loop3A_262, %parallel_loop3A_263 : i32
          %parallel_loop3A_265 = vector.broadcast %parallel_loop3A_264 : i32 to vector<16xi32>
          %parallel_loop3A_266 = tpu.vector_load_idx %arg7[%add3A_3, %parallel_loop3A_265] : memref<16x1000xf32, #tpu.memory_space<vmem>>[vector<16xi32>, vector<16xi32>], vector<16xf32>,
          %parallel_loop3A_267 = arith.constant 7 : i32
          %parallel_loop3A_268 = arith.index_cast %parallel_loop3A_183 : i32 to index
          %parallel_loop3A_269 = arith.index_cast %parallel_loop3A_267 : i32 to index
          %parallel_loop3A_270 = arith.constant 0 : index
          %parallel_loop3A_271 = tpu.vector_load %arg10[%parallel_loop3A_268, %parallel_loop3A_269, %parallel_loop3A_270] {strides = array<i32>} : memref<125x8x16xf32, #tpu.memory_space<vmem>>, vector<16xf32>,
          tpu.vector_store %arg10[%parallel_loop3A_268, %parallel_loop3A_269, %parallel_loop3A_270], %parallel_loop3A_266 {strides = array<i32>} : memref<125x8x16xf32, #tpu.memory_space<vmem>>, vector<16xf32>,
        } {sc.loop_unroll_factor = 4 : i64, sc.parallel_access}
        %jit3A_140 = arith.constant 8 : i32
        %div3A_141 = arith.divsi %add3A_93, %jit3A_140 : i32
        %sign3A_142 = arith.constant 0 : i32
        %sign3A_143 = arith.cmpi sgt, %add3A_93, %sign3A_142 : i32
        %sign3A_144 = arith.extui %sign3A_143 : i1 to i32
        %sign3A_145 = arith.constant 0 : i32
        %sign3A_146 = arith.cmpi slt, %add3A_93, %sign3A_145 : i32
        %sign3A_147 = arith.extui %sign3A_146 : i1 to i32
        %sign3A_148 = arith.subi %sign3A_144, %sign3A_147 : i32
        %sign3A_149 = arith.constant 0 : i32
        %sign3A_150 = arith.cmpi sgt, %jit3A_140, %sign3A_149 : i32
        %sign3A_151 = arith.extui %sign3A_150 : i1 to i32
        %sign3A_152 = arith.constant 0 : i32
        %sign3A_153 = arith.cmpi slt, %jit3A_140, %sign3A_152 : i32
        %sign3A_154 = arith.extui %sign3A_153 : i1 to i32
        %sign3A_155 = arith.subi %sign3A_151, %sign3A_154 : i32
        %ne3A_156 = arith.cmpi ne, %sign3A_148, %sign3A_155 : i32
        %rem3A_157 = arith.remsi %add3A_93, %jit3A_140 : i32
        %ne3A_158 = arith.constant 0 : i32
        %ne3A_159 = arith.cmpi ne, %rem3A_157, %ne3A_158 : i32
        %and3A_160 = arith.andi %ne3A_156, %ne3A_159 : i1
        %sub3A_161 = arith.constant 1 : i32
        %sub3A_162 = arith.subi %div3A_141, %sub3A_161 : i32
        %select_n3A_163 = arith.select %and3A_160, %sub3A_162, %div3A_141 : i32
        %rem3A_164 = arith.constant 8 : i32
        %rem3A_165 = arith.remsi %add3A_93, %rem3A_164 : i32
        %mul3A_166 = arith.constant 16 : i32
        %mul3A_167 = arith.muli %rem3A_165, %mul3A_166 : i32
        %dma_start3A_168 = arith.constant 0 : i32
        %dma_start3A_169 = arith.constant 0 : i32
        %dma_start3A_170 = tpu.memref_slice %arg4[%select_n3A_163, %dma_start3A_168, %add3A, %dma_start3A_169, %mul3A_167] : memref<50x125x32x8x128xf32, #tpu.memory_space<hbm>> -> memref<1x125x1x8x16xf32, #tpu.memory_space<hbm>>
        %dma_start3A_171 = tpu.memref_squeeze %dma_start3A_170 : memref<1x125x1x8x16xf32, #tpu.memory_space<hbm>> -> memref<125x8x16xf32, #tpu.memory_space<hbm>>
        %dma_start3A_172 = arith.constant 0 : i32
        %dma_start3A_173 = arith.constant 0 : i32
        %dma_start3A_174 = tpu.memref_slice %arg4[%select_n3A_163, %dma_start3A_172, %add3A, %dma_start3A_173, %mul3A_167] : memref<50x125x32x8x128xf32, #tpu.memory_space<hbm>> -> memref<1x125x1x8x16xf32, #tpu.memory_space<hbm>>
        %dma_start3A_175 = tpu.memref_squeeze %dma_start3A_174 : memref<1x125x1x8x16xf32, #tpu.memory_space<hbm>> -> memref<125x8x16xf32, #tpu.memory_space<hbm>>
        tpu.enqueue_dma source(%arg10 : memref<125x8x16xf32, #tpu.memory_space<vmem>>) target(%dma_start3A_175 : memref<125x8x16xf32, #tpu.memory_space<hbm>>) target_semaphore(%arg16 : memref<!tpu.dma_semaphore, #tpu.memory_space<semaphore_mem>>)
        %add3A_176 = arith.constant 3 : i32
        %add3A_177 = arith.addi %add3A_93, %add3A_176 : i32
        %lt3A_178 = arith.constant 400 : i32
        %lt3A_179 = arith.cmpi slt, %add3A_177, %lt3A_178 : i32
        %convert_element_type3A_180 = arith.extui %lt3A_179 : i1 to i32
        %cond3A_181 = arith.constant 0 : i32
        %cond3A_182 = arith.cmpi ne, %convert_element_type3A_180, %cond3A_181 : i32
        scf.if %cond3A_182 {
          %add3A_183 = arith.constant 3 : i32
          %add3A_184 = arith.addi %add3A_93, %add3A_183 : i32
          %jit3A_185 = arith.constant 8 : i32
          %div3A_186 = arith.divsi %add3A_184, %jit3A_185 : i32
          %sign3A_187 = arith.constant 0 : i32
          %sign3A_188 = arith.cmpi sgt, %add3A_184, %sign3A_187 : i32
          %sign3A_189 = arith.extui %sign3A_188 : i1 to i32
          %sign3A_190 = arith.constant 0 : i32
          %sign3A_191 = arith.cmpi slt, %add3A_184, %sign3A_190 : i32
          %sign3A_192 = arith.extui %sign3A_191 : i1 to i32
          %sign3A_193 = arith.subi %sign3A_189, %sign3A_192 : i32
          %sign3A_194 = arith.constant 0 : i32
          %sign3A_195 = arith.cmpi sgt, %jit3A_185, %sign3A_194 : i32
          %sign3A_196 = arith.extui %sign3A_195 : i1 to i32
          %sign3A_197 = arith.constant 0 : i32
          %sign3A_198 = arith.cmpi slt, %jit3A_185, %sign3A_197 : i32
          %sign3A_199 = arith.extui %sign3A_198 : i1 to i32
          %sign3A_200 = arith.subi %sign3A_196, %sign3A_199 : i32
          %ne3A_201 = arith.cmpi ne, %sign3A_193, %sign3A_200 : i32
          %rem3A_202 = arith.remsi %add3A_184, %jit3A_185 : i32
          %ne3A_203 = arith.constant 0 : i32
          %ne3A_204 = arith.cmpi ne, %rem3A_202, %ne3A_203 : i32
          %and3A_205 = arith.andi %ne3A_201, %ne3A_204 : i1
          %sub3A_206 = arith.constant 1 : i32
          %sub3A_207 = arith.subi %div3A_186, %sub3A_206 : i32
          %select_n3A_208 = arith.select %and3A_205, %sub3A_207, %div3A_186 : i32
          %rem3A_209 = arith.constant 8 : i32
          %rem3A_210 = arith.remsi %add3A_184, %rem3A_209 : i32
          %mul3A_211 = arith.constant 16 : i32
          %mul3A_212 = arith.muli %rem3A_210, %mul3A_211 : i32
          %dma_start3A_213 = tpu.memref_slice %arg5[%select_n3A_208, %mul3A_212] : memref<50x128xi32, #tpu.memory_space<vmem>> -> memref<1x16xi32, #tpu.memory_space<vmem>>
          %dma_start3A_214 = tpu.memref_squeeze %dma_start3A_213 : memref<1x16xi32, #tpu.memory_space<vmem>> -> memref<16xi32, #tpu.memory_space<vmem>>
          %dma_start3A_215 = arith.constant 0 : i32
          %dma_start3A_216 = arith.constant 0 : i32
          %dma_start3A_217 = tpu.memref_slice %arg2[%dma_start3A_215, %dma_start3A_216] : memref<1000x1000xf32, #tpu.memory_space<hbm>> -> memref<1000x1000xf32, #tpu.memory_space<hbm>>
          tpu.enqueue_indirect_dma source(%dma_start3A_217 : memref<1000x1000xf32, #tpu.memory_space<hbm>>) target(%arg7 : memref<16x1000xf32, #tpu.memory_space<vmem>>) offsets(%dma_start3A_214 : memref<16xi32, #tpu.memory_space<vmem>>) semaphore(%arg13 : memref<!tpu.dma_semaphore, #tpu.memory_space<semaphore_mem>>)
        } else {
        }
      } else {
      }
      %mul3A_99 = arith.constant 3 : i32
      %mul3A_100 = arith.muli %scan3A_83, %mul3A_99 : i32
      %add3A_101 = arith.constant 2 : i32
      %add3A_102 = arith.addi %mul3A_100, %add3A_101 : i32
      %lt3A_103 = arith.constant 400 : i32
      %lt3A_104 = arith.cmpi slt, %add3A_102, %lt3A_103 : i32
      %convert_element_type3A_105 = arith.extui %lt3A_104 : i1 to i32
      %cond3A_106 = arith.constant 0 : i32
      %cond3A_107 = arith.cmpi ne, %convert_element_type3A_105, %cond3A_106 : i32
      scf.if %cond3A_107 {
        %jit3A = arith.constant 8 : i32
        %div3A = arith.divsi %add3A_102, %jit3A : i32
        %sign3A = arith.constant 0 : i32
        %sign3A_108 = arith.cmpi sgt, %add3A_102, %sign3A : i32
        %sign3A_109 = arith.extui %sign3A_108 : i1 to i32
        %sign3A_110 = arith.constant 0 : i32
        %sign3A_111 = arith.cmpi slt, %add3A_102, %sign3A_110 : i32
        %sign3A_112 = arith.extui %sign3A_111 : i1 to i32
        %sign3A_113 = arith.subi %sign3A_109, %sign3A_112 : i32
        %sign3A_114 = arith.constant 0 : i32
        %sign3A_115 = arith.cmpi sgt, %jit3A, %sign3A_114 : i32
        %sign3A_116 = arith.extui %sign3A_115 : i1 to i32
        %sign3A_117 = arith.constant 0 : i32
        %sign3A_118 = arith.cmpi slt, %jit3A, %sign3A_117 : i32
        %sign3A_119 = arith.extui %sign3A_118 : i1 to i32
        %sign3A_120 = arith.subi %sign3A_116, %sign3A_119 : i32
        %ne3A = arith.cmpi ne, %sign3A_113, %sign3A_120 : i32
        %rem3A_121 = arith.remsi %add3A_102, %jit3A : i32
        %ne3A_122 = arith.constant 0 : i32
        %ne3A_123 = arith.cmpi ne, %rem3A_121, %ne3A_122 : i32
        %and3A = arith.andi %ne3A, %ne3A_123 : i1
        %sub3A = arith.constant 1 : i32
        %sub3A_124 = arith.subi %div3A, %sub3A : i32
        %select_n3A = arith.select %and3A, %sub3A_124, %div3A : i32
        %rem3A_125 = arith.constant 8 : i32
        %rem3A_126 = arith.remsi %add3A_102, %rem3A_125 : i32
        %mul3A_127 = arith.constant 16 : i32
        %mul3A_128 = arith.muli %rem3A_126, %mul3A_127 : i32
        %dma_wait3A_129 = tpu.memref_slice %arg5[%select_n3A, %mul3A_128] : memref<50x128xi32, #tpu.memory_space<vmem>> -> memref<1x16xi32, #tpu.memory_space<vmem>>
        %dma_wait3A_130 = tpu.memref_squeeze %dma_wait3A_129 : memref<1x16xi32, #tpu.memory_space<vmem>> -> memref<16xi32, #tpu.memory_space<vmem>>
        %dma_wait3A_131 = arith.constant 0 : i32
        %dma_wait3A_132 = arith.constant 0 : i32
        %dma_wait3A_133 = tpu.memref_slice %arg2[%dma_wait3A_131, %dma_wait3A_132] : memref<1000x1000xf32, #tpu.memory_space<hbm>> -> memref<1000x1000xf32, #tpu.memory_space<hbm>>
        tpu.wait_indirect_dma semaphore(%arg14 : memref<!tpu.dma_semaphore, #tpu.memory_space<semaphore_mem>>) src(%dma_wait3A_133 : memref<1000x1000xf32, #tpu.memory_space<hbm>>) dst(%arg8 : memref<16x1000xf32, #tpu.memory_space<vmem>>)
        %ge3A = arith.constant 3 : i32
        %ge3A_134 = arith.cmpi sge, %add3A_102, %ge3A : i32
        %convert_element_type3A_135 = arith.extui %ge3A_134 : i1 to i32
        %cond3A_136 = arith.constant 0 : i32
        %cond3A_137 = arith.cmpi ne, %convert_element_type3A_135, %cond3A_136 : i32
        scf.if %cond3A_137 {
          %jit3A_183 = arith.constant 8 : i32
          %div3A_184 = arith.divsi %add3A_102, %jit3A_183 : i32
          %sign3A_185 = arith.constant 0 : i32
          %sign3A_186 = arith.cmpi sgt, %add3A_102, %sign3A_185 : i32
          %sign3A_187 = arith.extui %sign3A_186 : i1 to i32
          %sign3A_188 = arith.constant 0 : i32
          %sign3A_189 = arith.cmpi slt, %add3A_102, %sign3A_188 : i32
          %sign3A_190 = arith.extui %sign3A_189 : i1 to i32
          %sign3A_191 = arith.subi %sign3A_187, %sign3A_190 : i32
          %sign3A_192 = arith.constant 0 : i32
          %sign3A_193 = arith.cmpi sgt, %jit3A_183, %sign3A_192 : i32
          %sign3A_194 = arith.extui %sign3A_193 : i1 to i32
          %sign3A_195 = arith.constant 0 : i32
          %sign3A_196 = arith.cmpi slt, %jit3A_183, %sign3A_195 : i32
          %sign3A_197 = arith.extui %sign3A_196 : i1 to i32
          %sign3A_198 = arith.subi %sign3A_194, %sign3A_197 : i32
          %ne3A_199 = arith.cmpi ne, %sign3A_191, %sign3A_198 : i32
          %rem3A_200 = arith.remsi %add3A_102, %jit3A_183 : i32
          %ne3A_201 = arith.constant 0 : i32
          %ne3A_202 = arith.cmpi ne, %rem3A_200, %ne3A_201 : i32
          %and3A_203 = arith.andi %ne3A_199, %ne3A_202 : i1
          %sub3A_204 = arith.constant 1 : i32
          %sub3A_205 = arith.subi %div3A_184, %sub3A_204 : i32
          %select_n3A_206 = arith.select %and3A_203, %sub3A_205, %div3A_184 : i32
          %rem3A_207 = arith.constant 8 : i32
          %rem3A_208 = arith.remsi %add3A_102, %rem3A_207 : i32
          %mul3A_209 = arith.constant 16 : i32
          %mul3A_210 = arith.muli %rem3A_208, %mul3A_209 : i32
          %dma_wait3A_211 = arith.constant 0 : i32
          %dma_wait3A_212 = arith.constant 0 : i32
          %dma_wait3A_213 = tpu.memref_slice %arg4[%select_n3A_206, %dma_wait3A_211, %add3A, %dma_wait3A_212, %mul3A_210] : memref<50x125x32x8x128xf32, #tpu.memory_space<hbm>> -> memref<1x125x1x8x16xf32, #tpu.memory_space<hbm>>
          %dma_wait3A_214 = tpu.memref_squeeze %dma_wait3A_213 : memref<1x125x1x8x16xf32, #tpu.memory_space<hbm>> -> memref<125x8x16xf32, #tpu.memory_space<hbm>>
          %dma_wait3A_215 = arith.constant 0 : i32
          %dma_wait3A_216 = arith.constant 0 : i32
          %dma_wait3A_217 = tpu.memref_slice %arg4[%select_n3A_206, %dma_wait3A_215, %add3A, %dma_wait3A_216, %mul3A_210] : memref<50x125x32x8x128xf32, #tpu.memory_space<hbm>> -> memref<1x125x1x8x16xf32, #tpu.memory_space<hbm>>
          %dma_wait3A_218 = tpu.memref_squeeze %dma_wait3A_217 : memref<1x125x1x8x16xf32, #tpu.memory_space<hbm>> -> memref<125x8x16xf32, #tpu.memory_space<hbm>>
          tpu.wait_dma2 semaphore(%arg17 : memref<!tpu.dma_semaphore, #tpu.memory_space<semaphore_mem>>) src(%arg11 : memref<125x8x16xf32, #tpu.memory_space<vmem>>) dst(%dma_wait3A_218 : memref<125x8x16xf32, #tpu.memory_space<hbm>>)
        } else {
        }
        %parallel_loop3A = arith.constant 0 : i32
        %parallel_loop3A_138 = arith.constant 125 : i32
        %parallel_loop3A_139 = arith.constant 1 : i32
        scf.for %parallel_loop3A_183 = %parallel_loop3A to %parallel_loop3A_138 step %parallel_loop3A_139  : i32 {
          %parallel_loop3A_184 = arith.constant 8 : i32
          %parallel_loop3A_185 = arith.muli %parallel_loop3A_183, %parallel_loop3A_184 : i32
          %parallel_loop3A_186 = arith.constant 0 : i32
          %parallel_loop3A_187 = arith.addi %parallel_loop3A_185, %parallel_loop3A_186 : i32
          %parallel_loop3A_188 = vector.broadcast %parallel_loop3A_187 : i32 to vector<16xi32>
          %parallel_loop3A_189 = tpu.vector_load_idx %arg8[%add3A_3, %parallel_loop3A_188] : memref<16x1000xf32, #tpu.memory_space<vmem>>[vector<16xi32>, vector<16xi32>], vector<16xf32>,
          %parallel_loop3A_190 = arith.constant 0 : i32
          %parallel_loop3A_191 = arith.index_cast %parallel_loop3A_183 : i32 to index
          %parallel_loop3A_192 = arith.index_cast %parallel_loop3A_190 : i32 to index
          %parallel_loop3A_193 = arith.constant 0 : index
          %parallel_loop3A_194 = tpu.vector_load %arg11[%parallel_loop3A_191, %parallel_loop3A_192, %parallel_loop3A_193] {strides = array<i32>} : memref<125x8x16xf32, #tpu.memory_space<vmem>>, vector<16xf32>,
          tpu.vector_store %arg11[%parallel_loop3A_191, %parallel_loop3A_192, %parallel_loop3A_193], %parallel_loop3A_189 {strides = array<i32>} : memref<125x8x16xf32, #tpu.memory_space<vmem>>, vector<16xf32>,
          %parallel_loop3A_195 = arith.constant 8 : i32
          %parallel_loop3A_196 = arith.muli %parallel_loop3A_183, %parallel_loop3A_195 : i32
          %parallel_loop3A_197 = arith.constant 1 : i32
          %parallel_loop3A_198 = arith.addi %parallel_loop3A_196, %parallel_loop3A_197 : i32
          %parallel_loop3A_199 = vector.broadcast %parallel_loop3A_198 : i32 to vector<16xi32>
          %parallel_loop3A_200 = tpu.vector_load_idx %arg8[%add3A_3, %parallel_loop3A_199] : memref<16x1000xf32, #tpu.memory_space<vmem>>[vector<16xi32>, vector<16xi32>], vector<16xf32>,
          %parallel_loop3A_201 = arith.constant 1 : i32
          %parallel_loop3A_202 = arith.index_cast %parallel_loop3A_183 : i32 to index
          %parallel_loop3A_203 = arith.index_cast %parallel_loop3A_201 : i32 to index
          %parallel_loop3A_204 = arith.constant 0 : index
          %parallel_loop3A_205 = tpu.vector_load %arg11[%parallel_loop3A_202, %parallel_loop3A_203, %parallel_loop3A_204] {strides = array<i32>} : memref<125x8x16xf32, #tpu.memory_space<vmem>>, vector<16xf32>,
          tpu.vector_store %arg11[%parallel_loop3A_202, %parallel_loop3A_203, %parallel_loop3A_204], %parallel_loop3A_200 {strides = array<i32>} : memref<125x8x16xf32, #tpu.memory_space<vmem>>, vector<16xf32>,
          %parallel_loop3A_206 = arith.constant 8 : i32
          %parallel_loop3A_207 = arith.muli %parallel_loop3A_183, %parallel_loop3A_206 : i32
          %parallel_loop3A_208 = arith.constant 2 : i32
          %parallel_loop3A_209 = arith.addi %parallel_loop3A_207, %parallel_loop3A_208 : i32
          %parallel_loop3A_210 = vector.broadcast %parallel_loop3A_209 : i32 to vector<16xi32>
          %parallel_loop3A_211 = tpu.vector_load_idx %arg8[%add3A_3, %parallel_loop3A_210] : memref<16x1000xf32, #tpu.memory_space<vmem>>[vector<16xi32>, vector<16xi32>], vector<16xf32>,
          %parallel_loop3A_212 = arith.constant 2 : i32
          %parallel_loop3A_213 = arith.index_cast %parallel_loop3A_183 : i32 to index
          %parallel_loop3A_214 = arith.index_cast %parallel_loop3A_212 : i32 to index
          %parallel_loop3A_215 = arith.constant 0 : index
          %parallel_loop3A_216 = tpu.vector_load %arg11[%parallel_loop3A_213, %parallel_loop3A_214, %parallel_loop3A_215] {strides = array<i32>} : memref<125x8x16xf32, #tpu.memory_space<vmem>>, vector<16xf32>,
          tpu.vector_store %arg11[%parallel_loop3A_213, %parallel_loop3A_214, %parallel_loop3A_215], %parallel_loop3A_211 {strides = array<i32>} : memref<125x8x16xf32, #tpu.memory_space<vmem>>, vector<16xf32>,
          %parallel_loop3A_217 = arith.constant 8 : i32
          %parallel_loop3A_218 = arith.muli %parallel_loop3A_183, %parallel_loop3A_217 : i32
          %parallel_loop3A_219 = arith.constant 3 : i32
          %parallel_loop3A_220 = arith.addi %parallel_loop3A_218, %parallel_loop3A_219 : i32
          %parallel_loop3A_221 = vector.broadcast %parallel_loop3A_220 : i32 to vector<16xi32>
          %parallel_loop3A_222 = tpu.vector_load_idx %arg8[%add3A_3, %parallel_loop3A_221] : memref<16x1000xf32, #tpu.memory_space<vmem>>[vector<16xi32>, vector<16xi32>], vector<16xf32>,
          %parallel_loop3A_223 = arith.constant 3 : i32
          %parallel_loop3A_224 = arith.index_cast %parallel_loop3A_183 : i32 to index
          %parallel_loop3A_225 = arith.index_cast %parallel_loop3A_223 : i32 to index
          %parallel_loop3A_226 = arith.constant 0 : index
          %parallel_loop3A_227 = tpu.vector_load %arg11[%parallel_loop3A_224, %parallel_loop3A_225, %parallel_loop3A_226] {strides = array<i32>} : memref<125x8x16xf32, #tpu.memory_space<vmem>>, vector<16xf32>,
          tpu.vector_store %arg11[%parallel_loop3A_224, %parallel_loop3A_225, %parallel_loop3A_226], %parallel_loop3A_222 {strides = array<i32>} : memref<125x8x16xf32, #tpu.memory_space<vmem>>, vector<16xf32>,
          %parallel_loop3A_228 = arith.constant 8 : i32
          %parallel_loop3A_229 = arith.muli %parallel_loop3A_183, %parallel_loop3A_228 : i32
          %parallel_loop3A_230 = arith.constant 4 : i32
          %parallel_loop3A_231 = arith.addi %parallel_loop3A_229, %parallel_loop3A_230 : i32
          %parallel_loop3A_232 = vector.broadcast %parallel_loop3A_231 : i32 to vector<16xi32>
          %parallel_loop3A_233 = tpu.vector_load_idx %arg8[%add3A_3, %parallel_loop3A_232] : memref<16x1000xf32, #tpu.memory_space<vmem>>[vector<16xi32>, vector<16xi32>], vector<16xf32>,
          %parallel_loop3A_234 = arith.constant 4 : i32
          %parallel_loop3A_235 = arith.index_cast %parallel_loop3A_183 : i32 to index
          %parallel_loop3A_236 = arith.index_cast %parallel_loop3A_234 : i32 to index
          %parallel_loop3A_237 = arith.constant 0 : index
          %parallel_loop3A_238 = tpu.vector_load %arg11[%parallel_loop3A_235, %parallel_loop3A_236, %parallel_loop3A_237] {strides = array<i32>} : memref<125x8x16xf32, #tpu.memory_space<vmem>>, vector<16xf32>,
          tpu.vector_store %arg11[%parallel_loop3A_235, %parallel_loop3A_236, %parallel_loop3A_237], %parallel_loop3A_233 {strides = array<i32>} : memref<125x8x16xf32, #tpu.memory_space<vmem>>, vector<16xf32>,
          %parallel_loop3A_239 = arith.constant 8 : i32
          %parallel_loop3A_240 = arith.muli %parallel_loop3A_183, %parallel_loop3A_239 : i32
          %parallel_loop3A_241 = arith.constant 5 : i32
          %parallel_loop3A_242 = arith.addi %parallel_loop3A_240, %parallel_loop3A_241 : i32
          %parallel_loop3A_243 = vector.broadcast %parallel_loop3A_242 : i32 to vector<16xi32>
          %parallel_loop3A_244 = tpu.vector_load_idx %arg8[%add3A_3, %parallel_loop3A_243] : memref<16x1000xf32, #tpu.memory_space<vmem>>[vector<16xi32>, vector<16xi32>], vector<16xf32>,
          %parallel_loop3A_245 = arith.constant 5 : i32
          %parallel_loop3A_246 = arith.index_cast %parallel_loop3A_183 : i32 to index
          %parallel_loop3A_247 = arith.index_cast %parallel_loop3A_245 : i32 to index
          %parallel_loop3A_248 = arith.constant 0 : index
          %parallel_loop3A_249 = tpu.vector_load %arg11[%parallel_loop3A_246, %parallel_loop3A_247, %parallel_loop3A_248] {strides = array<i32>} : memref<125x8x16xf32, #tpu.memory_space<vmem>>, vector<16xf32>,
          tpu.vector_store %arg11[%parallel_loop3A_246, %parallel_loop3A_247, %parallel_loop3A_248], %parallel_loop3A_244 {strides = array<i32>} : memref<125x8x16xf32, #tpu.memory_space<vmem>>, vector<16xf32>,
          %parallel_loop3A_250 = arith.constant 8 : i32
          %parallel_loop3A_251 = arith.muli %parallel_loop3A_183, %parallel_loop3A_250 : i32
          %parallel_loop3A_252 = arith.constant 6 : i32
          %parallel_loop3A_253 = arith.addi %parallel_loop3A_251, %parallel_loop3A_252 : i32
          %parallel_loop3A_254 = vector.broadcast %parallel_loop3A_253 : i32 to vector<16xi32>
          %parallel_loop3A_255 = tpu.vector_load_idx %arg8[%add3A_3, %parallel_loop3A_254] : memref<16x1000xf32, #tpu.memory_space<vmem>>[vector<16xi32>, vector<16xi32>], vector<16xf32>,
          %parallel_loop3A_256 = arith.constant 6 : i32
          %parallel_loop3A_257 = arith.index_cast %parallel_loop3A_183 : i32 to index
          %parallel_loop3A_258 = arith.index_cast %parallel_loop3A_256 : i32 to index
          %parallel_loop3A_259 = arith.constant 0 : index
          %parallel_loop3A_260 = tpu.vector_load %arg11[%parallel_loop3A_257, %parallel_loop3A_258, %parallel_loop3A_259] {strides = array<i32>} : memref<125x8x16xf32, #tpu.memory_space<vmem>>, vector<16xf32>,
          tpu.vector_store %arg11[%parallel_loop3A_257, %parallel_loop3A_258, %parallel_loop3A_259], %parallel_loop3A_255 {strides = array<i32>} : memref<125x8x16xf32, #tpu.memory_space<vmem>>, vector<16xf32>,
          %parallel_loop3A_261 = arith.constant 8 : i32
          %parallel_loop3A_262 = arith.muli %parallel_loop3A_183, %parallel_loop3A_261 : i32
          %parallel_loop3A_263 = arith.constant 7 : i32
          %parallel_loop3A_264 = arith.addi %parallel_loop3A_262, %parallel_loop3A_263 : i32
          %parallel_loop3A_265 = vector.broadcast %parallel_loop3A_264 : i32 to vector<16xi32>
          %parallel_loop3A_266 = tpu.vector_load_idx %arg8[%add3A_3, %parallel_loop3A_265] : memref<16x1000xf32, #tpu.memory_space<vmem>>[vector<16xi32>, vector<16xi32>], vector<16xf32>,
          %parallel_loop3A_267 = arith.constant 7 : i32
          %parallel_loop3A_268 = arith.index_cast %parallel_loop3A_183 : i32 to index
          %parallel_loop3A_269 = arith.index_cast %parallel_loop3A_267 : i32 to index
          %parallel_loop3A_270 = arith.constant 0 : index
          %parallel_loop3A_271 = tpu.vector_load %arg11[%parallel_loop3A_268, %parallel_loop3A_269, %parallel_loop3A_270] {strides = array<i32>} : memref<125x8x16xf32, #tpu.memory_space<vmem>>, vector<16xf32>,
          tpu.vector_store %arg11[%parallel_loop3A_268, %parallel_loop3A_269, %parallel_loop3A_270], %parallel_loop3A_266 {strides = array<i32>} : memref<125x8x16xf32, #tpu.memory_space<vmem>>, vector<16xf32>,
        } {sc.loop_unroll_factor = 4 : i64, sc.parallel_access}
        %jit3A_140 = arith.constant 8 : i32
        %div3A_141 = arith.divsi %add3A_102, %jit3A_140 : i32
        %sign3A_142 = arith.constant 0 : i32
        %sign3A_143 = arith.cmpi sgt, %add3A_102, %sign3A_142 : i32
        %sign3A_144 = arith.extui %sign3A_143 : i1 to i32
        %sign3A_145 = arith.constant 0 : i32
        %sign3A_146 = arith.cmpi slt, %add3A_102, %sign3A_145 : i32
        %sign3A_147 = arith.extui %sign3A_146 : i1 to i32
        %sign3A_148 = arith.subi %sign3A_144, %sign3A_147 : i32
        %sign3A_149 = arith.constant 0 : i32
        %sign3A_150 = arith.cmpi sgt, %jit3A_140, %sign3A_149 : i32
        %sign3A_151 = arith.extui %sign3A_150 : i1 to i32
        %sign3A_152 = arith.constant 0 : i32
        %sign3A_153 = arith.cmpi slt, %jit3A_140, %sign3A_152 : i32
        %sign3A_154 = arith.extui %sign3A_153 : i1 to i32
        %sign3A_155 = arith.subi %sign3A_151, %sign3A_154 : i32
        %ne3A_156 = arith.cmpi ne, %sign3A_148, %sign3A_155 : i32
        %rem3A_157 = arith.remsi %add3A_102, %jit3A_140 : i32
        %ne3A_158 = arith.constant 0 : i32
        %ne3A_159 = arith.cmpi ne, %rem3A_157, %ne3A_158 : i32
        %and3A_160 = arith.andi %ne3A_156, %ne3A_159 : i1
        %sub3A_161 = arith.constant 1 : i32
        %sub3A_162 = arith.subi %div3A_141, %sub3A_161 : i32
        %select_n3A_163 = arith.select %and3A_160, %sub3A_162, %div3A_141 : i32
        %rem3A_164 = arith.constant 8 : i32
        %rem3A_165 = arith.remsi %add3A_102, %rem3A_164 : i32
        %mul3A_166 = arith.constant 16 : i32
        %mul3A_167 = arith.muli %rem3A_165, %mul3A_166 : i32
        %dma_start3A_168 = arith.constant 0 : i32
        %dma_start3A_169 = arith.constant 0 : i32
        %dma_start3A_170 = tpu.memref_slice %arg4[%select_n3A_163, %dma_start3A_168, %add3A, %dma_start3A_169, %mul3A_167] : memref<50x125x32x8x128xf32, #tpu.memory_space<hbm>> -> memref<1x125x1x8x16xf32, #tpu.memory_space<hbm>>
        %dma_start3A_171 = tpu.memref_squeeze %dma_start3A_170 : memref<1x125x1x8x16xf32, #tpu.memory_space<hbm>> -> memref<125x8x16xf32, #tpu.memory_space<hbm>>
        %dma_start3A_172 = arith.constant 0 : i32
        %dma_start3A_173 = arith.constant 0 : i32
        %dma_start3A_174 = tpu.memref_slice %arg4[%select_n3A_163, %dma_start3A_172, %add3A, %dma_start3A_173, %mul3A_167] : memref<50x125x32x8x128xf32, #tpu.memory_space<hbm>> -> memref<1x125x1x8x16xf32, #tpu.memory_space<hbm>>
        %dma_start3A_175 = tpu.memref_squeeze %dma_start3A_174 : memref<1x125x1x8x16xf32, #tpu.memory_space<hbm>> -> memref<125x8x16xf32, #tpu.memory_space<hbm>>
        tpu.enqueue_dma source(%arg11 : memref<125x8x16xf32, #tpu.memory_space<vmem>>) target(%dma_start3A_175 : memref<125x8x16xf32, #tpu.memory_space<hbm>>) target_semaphore(%arg17 : memref<!tpu.dma_semaphore, #tpu.memory_space<semaphore_mem>>)
        %add3A_176 = arith.constant 3 : i32
        %add3A_177 = arith.addi %add3A_102, %add3A_176 : i32
        %lt3A_178 = arith.constant 400 : i32
        %lt3A_179 = arith.cmpi slt, %add3A_177, %lt3A_178 : i32
        %convert_element_type3A_180 = arith.extui %lt3A_179 : i1 to i32
        %cond3A_181 = arith.constant 0 : i32
        %cond3A_182 = arith.cmpi ne, %convert_element_type3A_180, %cond3A_181 : i32
        scf.if %cond3A_182 {
          %add3A_183 = arith.constant 3 : i32
          %add3A_184 = arith.addi %add3A_102, %add3A_183 : i32
          %jit3A_185 = arith.constant 8 : i32
          %div3A_186 = arith.divsi %add3A_184, %jit3A_185 : i32
          %sign3A_187 = arith.constant 0 : i32
          %sign3A_188 = arith.cmpi sgt, %add3A_184, %sign3A_187 : i32
          %sign3A_189 = arith.extui %sign3A_188 : i1 to i32
          %sign3A_190 = arith.constant 0 : i32
          %sign3A_191 = arith.cmpi slt, %add3A_184, %sign3A_190 : i32
          %sign3A_192 = arith.extui %sign3A_191 : i1 to i32
          %sign3A_193 = arith.subi %sign3A_189, %sign3A_192 : i32
          %sign3A_194 = arith.constant 0 : i32
          %sign3A_195 = arith.cmpi sgt, %jit3A_185, %sign3A_194 : i32
          %sign3A_196 = arith.extui %sign3A_195 : i1 to i32
          %sign3A_197 = arith.constant 0 : i32
          %sign3A_198 = arith.cmpi slt, %jit3A_185, %sign3A_197 : i32
          %sign3A_199 = arith.extui %sign3A_198 : i1 to i32
          %sign3A_200 = arith.subi %sign3A_196, %sign3A_199 : i32
          %ne3A_201 = arith.cmpi ne, %sign3A_193, %sign3A_200 : i32
          %rem3A_202 = arith.remsi %add3A_184, %jit3A_185 : i32
          %ne3A_203 = arith.constant 0 : i32
          %ne3A_204 = arith.cmpi ne, %rem3A_202, %ne3A_203 : i32
          %and3A_205 = arith.andi %ne3A_201, %ne3A_204 : i1
          %sub3A_206 = arith.constant 1 : i32
          %sub3A_207 = arith.subi %div3A_186, %sub3A_206 : i32
          %select_n3A_208 = arith.select %and3A_205, %sub3A_207, %div3A_186 : i32
          %rem3A_209 = arith.constant 8 : i32
          %rem3A_210 = arith.remsi %add3A_184, %rem3A_209 : i32
          %mul3A_211 = arith.constant 16 : i32
          %mul3A_212 = arith.muli %rem3A_210, %mul3A_211 : i32
          %dma_start3A_213 = tpu.memref_slice %arg5[%select_n3A_208, %mul3A_212] : memref<50x128xi32, #tpu.memory_space<vmem>> -> memref<1x16xi32, #tpu.memory_space<vmem>>
          %dma_start3A_214 = tpu.memref_squeeze %dma_start3A_213 : memref<1x16xi32, #tpu.memory_space<vmem>> -> memref<16xi32, #tpu.memory_space<vmem>>
          %dma_start3A_215 = arith.constant 0 : i32
          %dma_start3A_216 = arith.constant 0 : i32
          %dma_start3A_217 = tpu.memref_slice %arg2[%dma_start3A_215, %dma_start3A_216] : memref<1000x1000xf32, #tpu.memory_space<hbm>> -> memref<1000x1000xf32, #tpu.memory_space<hbm>>
          tpu.enqueue_indirect_dma source(%dma_start3A_217 : memref<1000x1000xf32, #tpu.memory_space<hbm>>) target(%arg8 : memref<16x1000xf32, #tpu.memory_space<vmem>>) offsets(%dma_start3A_214 : memref<16xi32, #tpu.memory_space<vmem>>) semaphore(%arg14 : memref<!tpu.dma_semaphore, #tpu.memory_space<semaphore_mem>>)
        } else {
        }
      } else {
      }
    }
    %scan3A_41 = arith.constant 134 : i32
    %rem3A_42 = arith.constant 397 : i32
    %rem3A_43 = arith.constant 8 : i32
    %rem3A_44 = arith.remsi %rem3A_42, %rem3A_43 : i32
    %mul3A_45 = arith.constant 16 : i32
    %mul3A_46 = arith.muli %rem3A_44, %mul3A_45 : i32
    %dma_wait3A = arith.constant 49 : i32
    %dma_wait3A_47 = arith.constant 0 : i32
    %dma_wait3A_48 = arith.constant 0 : i32
    %dma_wait3A_49 = tpu.memref_slice %arg4[%dma_wait3A, %dma_wait3A_47, %add3A, %dma_wait3A_48, %mul3A_46] : memref<50x125x32x8x128xf32, #tpu.memory_space<hbm>> -> memref<1x125x1x8x16xf32, #tpu.memory_space<hbm>>
    %dma_wait3A_50 = tpu.memref_squeeze %dma_wait3A_49 : memref<1x125x1x8x16xf32, #tpu.memory_space<hbm>> -> memref<125x8x16xf32, #tpu.memory_space<hbm>>
    %dma_wait3A_51 = arith.constant 0 : i32
    %dma_wait3A_52 = arith.constant 0 : i32
    %dma_wait3A_53 = tpu.memref_slice %arg4[%dma_wait3A, %dma_wait3A_51, %add3A, %dma_wait3A_52, %mul3A_46] : memref<50x125x32x8x128xf32, #tpu.memory_space<hbm>> -> memref<1x125x1x8x16xf32, #tpu.memory_space<hbm>>
    %dma_wait3A_54 = tpu.memref_squeeze %dma_wait3A_53 : memref<1x125x1x8x16xf32, #tpu.memory_space<hbm>> -> memref<125x8x16xf32, #tpu.memory_space<hbm>>
    tpu.wait_dma2 semaphore(%arg16 : memref<!tpu.dma_semaphore, #tpu.memory_space<semaphore_mem>>) src(%arg10 : memref<125x8x16xf32, #tpu.memory_space<vmem>>) dst(%dma_wait3A_54 : memref<125x8x16xf32, #tpu.memory_space<hbm>>)
    %rem3A_55 = arith.constant 398 : i32
    %rem3A_56 = arith.constant 8 : i32
    %rem3A_57 = arith.remsi %rem3A_55, %rem3A_56 : i32
    %mul3A_58 = arith.constant 16 : i32
    %mul3A_59 = arith.muli %rem3A_57, %mul3A_58 : i32
    %dma_wait3A_60 = arith.constant 49 : i32
    %dma_wait3A_61 = arith.constant 0 : i32
    %dma_wait3A_62 = arith.constant 0 : i32
    %dma_wait3A_63 = tpu.memref_slice %arg4[%dma_wait3A_60, %dma_wait3A_61, %add3A, %dma_wait3A_62, %mul3A_59] : memref<50x125x32x8x128xf32, #tpu.memory_space<hbm>> -> memref<1x125x1x8x16xf32, #tpu.memory_space<hbm>>
    %dma_wait3A_64 = tpu.memref_squeeze %dma_wait3A_63 : memref<1x125x1x8x16xf32, #tpu.memory_space<hbm>> -> memref<125x8x16xf32, #tpu.memory_space<hbm>>
    %dma_wait3A_65 = arith.constant 0 : i32
    %dma_wait3A_66 = arith.constant 0 : i32
    %dma_wait3A_67 = tpu.memref_slice %arg4[%dma_wait3A_60, %dma_wait3A_65, %add3A, %dma_wait3A_66, %mul3A_59] : memref<50x125x32x8x128xf32, #tpu.memory_space<hbm>> -> memref<1x125x1x8x16xf32, #tpu.memory_space<hbm>>
    %dma_wait3A_68 = tpu.memref_squeeze %dma_wait3A_67 : memref<1x125x1x8x16xf32, #tpu.memory_space<hbm>> -> memref<125x8x16xf32, #tpu.memory_space<hbm>>
    tpu.wait_dma2 semaphore(%arg17 : memref<!tpu.dma_semaphore, #tpu.memory_space<semaphore_mem>>) src(%arg11 : memref<125x8x16xf32, #tpu.memory_space<vmem>>) dst(%dma_wait3A_68 : memref<125x8x16xf32, #tpu.memory_space<hbm>>)
    %rem3A_69 = arith.constant 399 : i32
    %rem3A_70 = arith.constant 8 : i32
    %rem3A_71 = arith.remsi %rem3A_69, %rem3A_70 : i32
    %mul3A_72 = arith.constant 16 : i32
    %mul3A_73 = arith.muli %rem3A_71, %mul3A_72 : i32
    %dma_wait3A_74 = arith.constant 49 : i32
    %dma_wait3A_75 = arith.constant 0 : i32
    %dma_wait3A_76 = arith.constant 0 : i32
    %dma_wait3A_77 = tpu.memref_slice %arg4[%dma_wait3A_74, %dma_wait3A_75, %add3A, %dma_wait3A_76, %mul3A_73] : memref<50x125x32x8x128xf32, #tpu.memory_space<hbm>> -> memref<1x125x1x8x16xf32, #tpu.memory_space<hbm>>
    %dma_wait3A_78 = tpu.memref_squeeze %dma_wait3A_77 : memref<1x125x1x8x16xf32, #tpu.memory_space<hbm>> -> memref<125x8x16xf32, #tpu.memory_space<hbm>>
    %dma_wait3A_79 = arith.constant 0 : i32
    %dma_wait3A_80 = arith.constant 0 : i32
    %dma_wait3A_81 = tpu.memref_slice %arg4[%dma_wait3A_74, %dma_wait3A_79, %add3A, %dma_wait3A_80, %mul3A_73] : memref<50x125x32x8x128xf32, #tpu.memory_space<hbm>> -> memref<1x125x1x8x16xf32, #tpu.memory_space<hbm>>
    %dma_wait3A_82 = tpu.memref_squeeze %dma_wait3A_81 : memref<1x125x1x8x16xf32, #tpu.memory_space<hbm>> -> memref<125x8x16xf32, #tpu.memory_space<hbm>>
    tpu.wait_dma2 semaphore(%arg15 : memref<!tpu.dma_semaphore, #tpu.memory_space<semaphore_mem>>) src(%arg9 : memref<125x8x16xf32, #tpu.memory_space<vmem>>) dst(%dma_wait3A_82 : memref<125x8x16xf32, #tpu.memory_space<hbm>>)
    return
  }
}

module attributes {stable_mosaic.version = 14 : i64} {
  func.func @_table_body(%arg0: memref<1000x4xf32, #tpu.memory_space<vmem>>, %arg1: memref<1000x4xf32, #tpu.memory_space<vmem>>, %arg2: memref<1x1000xf32, #tpu.memory_space<vmem>>, %arg3: memref<1000x1000xf32, #tpu.memory_space<vmem>>) attributes {dimension_semantics = [], scalar_prefetch = 0 : i64, scratch_operands = 0 : i64, tpu.core_type = #tpu.core_type<tc>} {
    %get3A = arith.constant 0 : index
    %get3A_0 = arith.constant 0 : index
    %get3A_1 = vector.load %arg0[%get3A, %get3A_0] : memref<1000x4xf32, #tpu.memory_space<vmem>>, vector<1000x4xf32>
    %get3A_2 = arith.constant 0 : index
    %get3A_3 = arith.constant 0 : index
    %get3A_4 = vector.load %arg1[%get3A_2, %get3A_3] : memref<1000x4xf32, #tpu.memory_space<vmem>>, vector<1000x4xf32>
    %dot_general3A = arith.constant dense<0.000000e+00> : vector<1000x1000xf32>
    %dot_general3A_5 = tpu.matmul %get3A_1, %get3A_4, %dot_general3A {dimension_numbers = #tpu.dot_dimension_numbers<[1], [1], [0], [0], [0, 0, 1, 0], [], []>, transpose_lhs_hint = false} : vector<1000x4xf32>, vector<1000x4xf32>, vector<1000x1000xf32> -> vector<1000x1000xf32>
    %get3A_6 = arith.constant 0 : index
    %get3A_7 = arith.constant 0 : index
    %get3A_8 = vector.load %arg2[%get3A_6, %get3A_7] : memref<1x1000xf32, #tpu.memory_space<vmem>>, vector<1x1000xf32>
    %add3A = vector.broadcast %get3A_8 : vector<1x1000xf32> to vector<1000x1000xf32>
    %add3A_9 = arith.addf %dot_general3A_5, %add3A : vector<1000x1000xf32>
    %swap3A = arith.constant 0 : index
    %swap3A_10 = arith.constant 0 : index
    %swap3A_11 = vector.load %arg3[%swap3A, %swap3A_10] : memref<1000x1000xf32, #tpu.memory_space<vmem>>, vector<1000x1000xf32>
    tpu.vector_store %arg3[%swap3A, %swap3A_10], %add3A_9 {strides = array<i32>} : memref<1000x1000xf32, #tpu.memory_space<vmem>>, vector<1000x1000xf32>,
    return
  }
}

</mosaic_0001>

<sc_bundles>
// kernel: kernel.4.cloned.1.call-start
scs
__scs_entry_jumppad:
0x0: {  	(pc) =	sbr.rel $0x88, $3  }
0x1: {  	(tag) =	ssettag $0x0;
	lr =	simm.s32 $0x1  }
0x2: {  	[smem:$0x3F9D] =	sst lr;
	_ =	strace $0xD0000000  }
0x3: {  	_ = 	snop  }
0x4: {  	_ = 	snop  }
0x5: {  	_ = 	snop  }
0x6: {  	_ = 	snop  }
0x7: {  	_ = 	snop  }
__scs_overlays_trampoline_lowered:
0x8: {  	[smem:$0x3FAC] =	sst s0  }
0x9: {  	[smem:$0x3FAD] =	sst s1  }
0xa: {  	[smem:$0x3FAE] =	sst s2  }
0xb: {  	[smem:$0x3FAF] =	sst s3  }
0xc: {  	[smem:$0x3FB0] =	sst s4  }
0xd: {  	[smem:$0x3FB1] =	sst s5  }
0xe: {  	[smem:$0x3FB2] =	sst s6  }
0xf: {  	[smem:$0x3FB3] =	sst s7  }
0x10: {  	[smem:$0x3FB4] =	sst s8  }
0x11: {  	[smem:$0x3FB5] =	sst s9;
	s0 =	simm.s32 @!p0 $0x0  }
0x12: {  	s1 =	sld [smem:$0x3F9B];
	s0 =	simm.s32 @p0 $0x1  }
0x13: {  	[smem:$0x3FB6] =	sst s0;
	s0 =	simm.s32 @!p1 $0x0  }
0x14: {  	s2 =	sld [smem:$0x3F9A];
	s0 =	simm.s32 @p1 $0x1  }
0x15: {  	[smem:$0x3FB7] =	sst s0;
	s0 =	simm.s32 @!p2 $0x0  }
0x16: {  	s3 =	sld [smem:$0x3FDB];
	s0 =	simm.s32 @p2 $0x1  }
0x17: {  	s4 =	simm.s32 $0x1BF5;
	[smem:$0x3FB9] =	sst s0  }
0x18: {  	s0 =	sld [smem:$0x3F9C];
	_ =	swait.ge [sflag:s4], $0x0  }
0x19: {  	s7 =	sld [smem:$0x3F9D]  }
0x1a: {  	s8 =	sadd.s32 $0xFFFFE003, lr  }
0x1b: {  	s9 =	sadd.s32 $0xFFFFFEF7, lr;
	s5 =	simm.s32 $0xFFFFFFFF;
	p2 =	slt.u32 s8, $0xFFFFF086  }
0x1c: {  	p1 =	slt.u32 s9, $0xF7A;
	s5 =	simm.s32 @!p2 $0x0  }
0x1d: {  	s5 =	simm.s32 @p1 $0x1;
	p0 =	seq.s32 s7, s2  }
0x1e: {  	s7 =	smul.u32 @!p0 $0xF7A, s2;
	p2 =	seq.s32 @!p0 s5, $0x0  }
0x1f: {  	s9 =	smul.u32 $0xF7A, s1;
	s8 =	simm.s32 @!p0 $0x1BF5;
	p2 =	por !p2, p0  }
0x20: {  	[sflag:s8] =	ssyncset.s32 @!p0 $0xFFFFF086;
	s6 =	sadd.s32 @!p0 s3, s7;
	s7 =	simm.s32 @!p0 $0x108  }
0x21: {  	s3 =	sadd.s32 s3, s9;
	s6 =	sadd.s32 @!p0 $0x88, s6;
	s7 =	simm.s32 @p2 $0x1082  }
0x22: {  	[simem:s7], [sflag:s8] =	dma.local @!p0 [hbm:s6], $0xF7A  }
0x23: {  	s9 =	sor.u32 $0xD0000000, s2;
	s6 =	simm.s32 $0x108;
	_ =	swait.ge @!p0 [sflag:s8], $0x0  }
0x24: {  	s3 =	sadd.s32 $0x88, s3;
	s6 =	simm.s32 @!p1 $0x1082;
	[sflag:s4] =	ssyncset.s32 $0xFFFFF086  }
0x25: {  	[simem:s6], [sflag:s4] =	dma.local [hbm:s3], $0xF7A  }
0x26: {  	[smem:$0x3F9D] =	sst s1;
	(tag) =	ssettag s2;
	_ =	strace s9  }
0x27: {  	s1 =	sld [smem:$0x3FAD]  }
0x28: {  	s2 =	sld [smem:$0x3FAE]  }
0x29: {  	s4 =	sld [smem:$0x3FB0]  }
0x2a: {  	p0 =	seq.s32 s5, $0x0;
	s5 =	sld [smem:$0x3FB1]  }
0x2b: {  	s6 =	sld [smem:$0x3FB2]  }
0x2c: {  	s7 =	sld [smem:$0x3FB3]  }
0x2d: {  	s3 =	simm.s32 $0x108;
	s8 =	sld [smem:$0x3FB4]  }
0x2e: {  	s3 =	simm.s32 @!p0 $0x1082;
	s9 =	sld [smem:$0x3FB5]  }
0x2f: {  	lr =	sadd.s32 s0, s3;
	s0 =	sld [smem:$0x3FAC]  }
0x30: {  	s3 =	sld [smem:$0x3FAF]  }
0x31: {  	[smem:$0x3FB8] =	sst s10  }
0x32: {  	s10 =	sld [smem:$0x3FB6];
	_ =	sdelay $0x3  }
0x33: {  	p0 =	seq.s32 s10, $0x1;
	s10 =	sld [smem:$0x3FB8];
	_ =	sdelay $0x3  }
0x34: {  	[smem:$0x3FB8] =	sst s10  }
0x35: {  	s10 =	sld [smem:$0x3FB7];
	_ =	sdelay $0x3  }
0x36: {  	p1 =	seq.s32 s10, $0x1;
	s10 =	sld [smem:$0x3FB8];
	_ =	sdelay $0x3  }
0x37: {  	[smem:$0x3FB8] =	sst s10  }
0x38: {  	s10 =	sld [smem:$0x3FB9]  }
0x39: {  	_ = 	snop;
	(pc) =	sbr.ind lr, $3  }
0x3a: {  	_ = 	snop  }
0x3b: {  	_ = 	snop  }
0x3c: {  	p2 =	seq.s32 s10, $0x1;
	s10 =	sld [smem:$0x3FB8]  }
0x3d: {  	_ =	shalt  }
0x3e: {  	_ =	shalt  }
0x3f: {  	_ =	shalt  }
0x40: {  	_ =	shalt  }
0x41: {  	_ =	shalt  }
0x42: {  	_ =	shalt  }
0x43: {  	_ =	shalt  }
0x44: {  	_ =	shalt  }
0x45: {  	_ =	shalt  }
0x46: {  	_ =	shalt  }
0x47: {  	_ =	shalt  }
0x48: {  	_ =	shalt  }
0x49: {  	_ =	shalt  }
0x4a: {  	_ =	shalt  }
0x4b: {  	_ =	shalt  }
0x4c: {  	_ =	shalt  }
0x4d: {  	_ =	shalt  }
0x4e: {  	_ =	shalt  }
0x4f: {  	_ =	shalt  }
0x50: {  	_ =	shalt  }
0x51: {  	_ =	shalt  }
0x52: {  	_ =	shalt  }
0x53: {  	_ =	shalt  }
0x54: {  	_ =	shalt  }
0x55: {  	_ =	shalt  }
0x56: {  	_ =	shalt  }
0x57: {  	_ =	shalt  }
0x58: {  	_ =	shalt  }
0x59: {  	_ =	shalt  }
0x5a: {  	_ =	shalt  }
0x5b: {  	_ =	shalt  }
0x5c: {  	_ =	shalt  }
0x5d: {  	_ =	shalt  }
0x5e: {  	_ =	shalt  }
0x5f: {  	_ =	shalt  }
0x60: {  	_ =	shalt  }
0x61: {  	_ =	shalt  }
0x62: {  	_ =	shalt  }
0x63: {  	_ =	shalt  }
0x64: {  	_ =	shalt  }
0x65: {  	_ =	shalt  }
0x66: {  	_ =	shalt  }
0x67: {  	_ =	shalt  }
0x68: {  	_ =	shalt  }
0x69: {  	_ =	shalt  }
0x6a: {  	_ =	shalt  }
0x6b: {  	_ =	shalt  }
0x6c: {  	_ =	shalt  }
0x6d: {  	_ =	shalt  }
0x6e: {  	_ =	shalt  }
0x6f: {  	_ =	shalt  }
0x70: {  	_ =	shalt  }
0x71: {  	_ =	shalt  }
0x72: {  	_ =	shalt  }
0x73: {  	_ =	shalt  }
0x74: {  	_ =	shalt  }
0x75: {  	_ =	shalt  }
0x76: {  	_ =	shalt  }
0x77: {  	_ =	shalt  }
0x78: {  	_ =	shalt  }
0x79: {  	_ =	shalt  }
0x7a: {  	_ =	shalt  }
0x7b: {  	_ =	shalt  }
0x7c: {  	_ =	shalt  }
0x7d: {  	_ =	shalt  }
0x7e: {  	_ =	shalt  }
0x7f: {  	_ =	shalt  }
0x80: {  	_ =	shalt  }
0x81: {  	_ =	shalt  }
0x82: {  	_ =	shalt  }
0x83: {  	_ =	shalt  }
0x84: {  	_ =	shalt  }
0x85: {  	_ =	shalt  }
0x86: {  	_ =	shalt  }
0x87: {  	_ =	shalt  }
.Lfunc_end0:
.L_simem_size_0:
called_computation_lowered:
.L_overlay_start_0:
0x88: {  	s2 =	sld [smem:$0x3FD9]  }
0x89: {  	s3 =	sld [smem:$0x3FFE];
	_ =	sdelay $0x1  }
0x8a: {  	s1 =	srdreg.scid  }
0x8b: {  	s0 =	sand.u32 $0x1, s1  }
0x8c: {  	s17 =	sshll.u32 s0, $0xA;
	s2 =	sadd.s32 s3, s2  }
0x8d: {  	s2 =	sadd.s32 s2, s17  }
0x8e: {  	[smem:$0x3FC4] =	sst s2  }
0x8f: {  	_ = 	snop  }
0x90: {  	s2 =	sld [smem:$0x3FD0];
	(tm) =	ssettm $0x1  }
0x91: {  	s18 =	sld [smem:$0x3FFB];
	_ =	sdelay $0x3  }
0x92: {  	_ =	strace s18  }
0x93: {  	s3 =	sld [smem:$0x3FFC];
	_ =	sdelay $0x3  }
0x94: {  	_ =	strace s3  }
0x95: {  	s3 =	sld [smem:$0x3FFD];
	_ =	sdelay $0x3  }
0x96: {  	_ =	strace s3  }
0x97: {  	_ =	strace $0x8FFFFFFF  }
0x98: {  	s19 =	sld [smem:$0x3FDB];
	_ =	sdelay $0x1  }
0x99: {  	s4 =	simm.s32 $_scs_section_size  }
0x9a: {  	s5 =	simm.s32 $_size__tile_overlayer_lowered;
	s6 =	simm.s32 $_tile_overlayer_lowered  }
0x9b: {  	s22 =	simm.s32 $0x1BFF;
	s21 =	sshll.u32 s6, $0x1;
	s3 =	sadd.s32 s4, s19  }
0x9c: {  	s7 =	simm.s32 $0x0;
	s20 =	sshll.u32 s5, $0x1;
	s5 =	sadd.s32 s21, s3  }
0x9d: {  	[timem:s7], [sflag:s22] =	dma.local [hbm:s5], s20  }
0x9e: {  	_ =	swait.ge [sflag:s22], s20  }
0x9f: {  	s4 =	ssub.s32 $0x0, s20;
	[sflag:s22] =	ssyncset.done $0x0  }
0xa0: {  	[sflag:s22] =	ssyncadd.s32 s4;
	_ =	sdelay $0x1  }
0xa1: {  	s23 =	simm.s32 $0x1B8B  }
0xa2: {  	_ =	swait.ge [sflag:s23], $0x1  }
0xa3: {  	[sflag:s23] =	ssyncset.done $0x0  }
0xa4: {  	s25 =	simm.s32 $0x1B8E;
	s24 =	sld [smem:$0x3FFE];
	[sflag:s23] =	ssyncadd.s32 $0xFFFFFFFF  }
0xa5: {  	s26 =	simm.s32 $execute0_lowered;
	[smem:$0x3FD2] =	sst s25  }
0xa6: {  	s5 =	sshll.u32 s26, $0x1;
	_ =	strace $0x80000046;
	[dreg:$0x1] =	wrdreg $0xFFFFFFFF  }
0xa7: {  	s28 =	simm.s32 $_size_execute0_lowered;
	s3 =	sadd.s32 s3, s5;
	[dreg:$0x0] =	wrdreg $0x0  }
0xa8: {  	s5 =	sshll.u32 s28, $0x1;
	[dreg:$0x2] =	wrdreg s3  }
0xa9: {  	[dreg:$0x3] =	wrdreg s5  }
0xaa: {  	[dreg:$0x4] =	wrdreg $0xC0  }
0xab: {  	_ =	task [dreg:s7], $0x5FFFF  }
0xac: {  	[dreg:$0x1] =	wrdreg $0xFFFFFFFF  }
0xad: {  	[dreg:$0x0] =	wrdreg $0x60  }
0xae: {  	[dreg:$0x2] =	wrdreg s24  }
0xaf: {  	[dreg:$0x3] =	wrdreg s2  }
0xb0: {  	[dreg:$0x4] =	wrdreg $0x9  }
0xb1: {  	_ =	task.clear_ibuf [dreg:s7], $0x5FFFF;
	_ =	strace $0x90000046  }
0xb2: {  	s29 =	simm.s32 $0x9;
	_ =	strace $0x80000048  }
0xb3: {  	_ =	swait.ge [sflag:s29], $0x1  }
0xb4: {  	[sflag:s29] =	ssyncadd.s32 $0xFFFFFFFF  }
0xb5: {  	_ =	strace $0x90000048  }
0xb6: {  	_ =	sfence  }
0xb7: {  	s30 =	sld [smem:$0x0];
	_ =	sdelay $0x2  }
0xb8: {  	s31 =	sshll.u32 s1, $0xD;
	s1 =	sshrl.u32 s1, $0x2  }
0xb9: {  	s3 =	sand.u32 $0x4000, s31;
	s1 =	sadd.s32 s1, s30  }
0xba: {  	s0 =	sor.u32 s3, s0;
	s1 =	sshll.u32 s1, $0x11  }
0xbb: {  	s0 =	sor.u32 s1, s0  }
0xbc: {  	s0 =	sadd.s32 $0x8F2B, s0  }
0xbd: {  	[sflag:s0] =	ssyncadd.remote.s32 $0x1  }
0xbe: {  	_ =	sfence.sel $0xFFFF  }
0xbf: {  	[dreg:$0x0] =	wrdreg $0xFFFFFFFF;
	(pc) =	sbr.abs _section_cstart, $3  }
0xc0: {  	[dreg:$0x1] =	wrdreg $0xFFFFFFFF  }
0xc1: {  	_ =	task.clear_ibuf [dreg:s7], $0x2FFFF;
	_ =	strace $0x9FFFFFFF  }
0xc2: {  	(tm) =	ssettm $0x7FFFFFFF  }
0xc3: {  	_ =	shalt  }
tec
execute0_lowered:
.L_overlay_start_1:
0x0: {  	(tag) =	ssettag $0x1  }
0x1: {  	s0 =	rddreg [dreg:$0x0]  }
0x2: {  	s2 =	rddreg [dreg:$0x1]  }
0x3: {  	s4 =	srdreg.scid;
	s1 =	stileid.u32;
	s3 =	simm.s32 $0x0  }
0x4: {  	s9 =	simm.s32 $0x1000;
	s10 =	simm.s32 $0x7;
	s11 =	simm.s32 $0x10  }
0x5: {  	s12 =	simm.s32 $0x1900;
	s13 =	simm.s32 $0x5780;
	s14 =	simm.s32 $0x20  }
0x6: {  	v0 =	vlaneseq.u32;
	s15 =	simm.s32 $0x9600;
	s16 =	simm.s32 $0x1;
	s17 =	simm.s32 $0x5  }
0x7: {  	v1 =	vimm.s32 $0x0;
	vm0 =	vcmask $0x300;
	s18 =	simm.s32 $0x6;
	s19 =	simm.s32 $0x4;
	s20 =	simm.s32 $0x2;
	v0 =	vmul.u32 $0x3E8, v0  }
0x8: {  	s21 =	simm.s32 $0x3;
	s22 =	simm.s32 $0x0;
	s4 =	sand.u32 $0x1, s4;
	v1 =	vsel vm0, $0x3, v1  }
.Ltmp0:
0x9: {  	s5 =	sshll.u32 s1, $0x1;
	[smem:$0x7FF] =	sst s3;
	v2 =	vor.u32 $0x1, v0;
	v3 =	vor.u32 $0x2, v0;
	v4 =	vor.u32 $0x3, v0;
	(pc) =	sbr.rel .LBB2_1-.Ltmp0, $4  }
0xa: {  	s6 =	sor.u32 s4, s5;
	s30 =	ssub.s32 $0x2, s4;
	_ =	strace $0x80000047;
	v5 =	vor.u32 $0x4, v0;
	v6 =	vor.u32 $0x5, v0;
	v7 =	vor.u32 $0x6, v0  }
0xb: {  	s4 =	sadd.s32 $0x6A00, s0;
	s7 =	sshll.u32 s6, $0x4;
	s8 =	sshrl.u32 s30, $0x1;
	v8 =	vor.u32 $0x7, v0;
	v9 =	vadd.s32 $0x3E0, v0;
	v10 =	vadd.s32 $0x3E1, v0  }
0xc: {  	s6 =	sshll.u32 s6, $0xA;
	v11 =	vadd.s32 $0x3E2, v0;
	v12 =	vadd.s32 $0x3E3, v0;
	v13 =	vadd.s32 $0x3E4, v0;
	s0 =	sadd.s32 s7, s0;
	s31 =	ssub.s32 s30, s8  }
0xd: {  	v14 =	vadd.s32 $0x3E5, v0;
	v15 =	vadd.s32 $0x3E6, v0;
	v16 =	vadd.s32 $0x3E7, v0;
	s8 =	simm.s32 $0x80;
	s5 =	sadd.s32 $0x600, s0;
	s7 =	smax.u32 s31, $0x1  }
.LBB2_20:
0xe: {  	_ =	swait.ge [sflag:s17], $0x3E80  }
0xf: {  	[sflag:s17] =	ssyncset.done $0x0  }
0x10: {  	s22 =	sadd.s32 $0x1, s22;
	[sflag:s17] =	ssyncadd.s32 $0xFFFFC180  }
0x11: {  	p0 =	sne.s32 s22, s7;
	_ =	swait.ge [sflag:s18], $0x3E80  }
.Ltmp1:
0x12: {  	[sflag:s18] =	ssyncset.done $0x0;
	(pc) =	sbr.rel @!p0 .LBB2_21-.Ltmp1, $4  }
0x13: {  	[sflag:s18] =	ssyncadd.s32 $0xFFFFC180  }
0x14: {  	_ =	swait.ge [sflag:s19], $0x3E80  }
0x15: {  	[sflag:s19] =	ssyncset.done $0x0  }
0x16: {  	[sflag:s19] =	ssyncadd.s32 $0xFFFFC180  }
.LBB2_1:
0x17: {  	[tilespmem:s3], [sflag:$0x7] =	stream.strided.gather [hbm4b:s5+s8], $0x1900, s9, s8, $0x38;
	[tilespmem:$0x19000] =	vst v63  }
0x18: {  	_ =	swait.ge [sflag:s10], $0x1900  }
0x19: {  	[sflag:s10] =	ssyncset.done $0x0  }
0x1a: {  	[sflag:s10] =	ssyncadd.s32 $0xFFFFE700  }
0x1b: {  	[tilespmem:s12], [sflag:$0x1] =	stream.indirect.gather [hbm4b:s4+s11], $0x3E8, s3, s11, $0xb8;
	[tilespmem:$0x19000] =	vst v63  }
0x1c: {  	_ = 	snop  }
0x1d: {  	[tilespmem:s13], [sflag:$0x2] =	stream.indirect.gather [hbm4b:s4+s11], $0x3E8, s11, s11, $0xb8;
	[tilespmem:$0x19000] =	vst v63  }
0x1e: {  	s23 =	simm.s32 $0x0  }
0x1f: {  	[tilespmem:s15], [sflag:$0x3] =	stream.indirect.gather [hbm4b:s4+s11], $0x3E8, s14, s11, $0xb8;
	[tilespmem:$0x19000] =	vst v63  }
.LBB2_2:
0x20: {  	s0 =	simm.s32 $0x10  }
0x21: {  	v17 =	vmov s0  }
0x22: {  	s1 =	simm.s32 $0x0;
	v17 =	vshrl.u32 v17, $0x3  }
0x23: {  	v18 =	vmov s1;
	v17 =	vshll.u32 v17, v1  }
0x24: {  	v23 =	vbroadcast v17, $0x0;
	v17 =	vshrl.u32 v18, $0x3  }
0x25: {  	_ =	swait.ge [sflag:s16], $0x3E80;
	s24 =	simm.s32 $0x8;
	v17 =	vshll.u32 v17, v1  }
0x26: {  	p0 =	seq.s32 s23, $0x0;
	[sflag:s16] =	ssyncset.done $0x0;
	v18 =	vmov s24;
	v19 =	vadd.s32 v0, v23;
	v21 =	vbroadcast v17, $0x0  }
0x27: {  	s0 =	simm.s32 @!p0 $0x4;
	[sflag:s16] =	ssyncadd.s32 $0xFFFFC180;
	v17 =	vshrl.u32 v18, $0x3  }
0x28: {  	_ =	swait.ge @!p0 [sflag:s0], $0x3E80;
	v17 =	vshll.u32 v17, v1;
	v18 =	vadd.s32 v0, v21  }
0x29: {  	[sflag:s0] =	ssyncset.done @!p0 $0x0;
	v24 =	vbroadcast v17, $0x0  }
0x2a: {  	[sflag:s0] =	ssyncadd.s32 @!p0 $0xFFFFC180  }
0x2b: {  	v17 =	vadd.s32 v0, v24;
	v19 =	vld.idx.msk [tilespmem:v19+s12+$0x0], $0xffff  }
0x2c: {  	v20 =	vadd.s32 v2, v23  }
0x2d: {  	v18 =	vld.idx.msk [tilespmem:v18+s12+$0x0], $0xffff  }
0x2e: {  	v22 =	vadd.s32 v2, v21  }
0x2f: {  	s26 =	simm.s32 $0xD580  }
0x30: {  	s25 =	simm.s32 $0x18;
	v17 =	vld.idx.msk [tilespmem:v17+s12+$0x0], $0xffff;
	[tilespmem:s26+$0x0] =	vst v19  }
0x31: {  	v25 =	vmov s25;
	v19 =	vadd.s32 v2, v24;
	v20 =	vld.idx.msk [tilespmem:v20+s12+$0x0], $0xffff  }
0x32: {  	v25 =	vshrl.u32 v25, $0x3;
	[tilespmem:s26+$0xFFFFFF00] =	vst v18;
	v18 =	vadd.s32 v3, v23  }
0x33: {  	v25 =	vshll.u32 v25, v1;
	v22 =	vld.idx.msk [tilespmem:v22+s12+$0x0], $0xffff  }
0x34: {  	v25 =	vbroadcast v25, $0x0;
	v26 =	vadd.s32 v3, v21  }
0x35: {  	s31 =	simm.s32 $0x28;
	[tilespmem:s26+$0xFFFFFF80] =	vst v17  }
0x36: {  	s1 =	simm.s32 $0x30;
	v28 =	vadd.s32 v4, v23;
	v30 =	vadd.s32 v0, v25;
	v17 =	vmov s31;
	v19 =	vld.idx.msk [tilespmem:v19+s12+$0x0], $0xffff;
	[tilespmem:s26+$0x10] =	vst v20  }
0x37: {  	s24 =	simm.s32 $0x20;
	v27 =	vadd.s32 v3, v24;
	v17 =	vshrl.u32 v17, $0x3;
	v29 =	vld.idx.msk [tilespmem:v18+s12+$0x0], $0xffff;
	v18 =	vmov s1  }
0x38: {  	v17 =	vshll.u32 v17, v1;
	v20 =	vmov s24;
	[tilespmem:s26+$0xFFFFFF10] =	vst v22;
	v18 =	vshrl.u32 v18, $0x3  }
0x39: {  	v17 =	vbroadcast v17, $0x0;
	v20 =	vshrl.u32 v20, $0x3;
	v22 =	vld.idx.msk [tilespmem:v26+s12+$0x0], $0xffff;
	v18 =	vshll.u32 v18, v1  }
0x3a: {  	v20 =	vshll.u32 v20, v1;
	v26 =	vadd.s32 v4, v21;
	v18 =	vbroadcast v18, $0x0  }
0x3b: {  	v20 =	vbroadcast v20, $0x0;
	[tilespmem:s26+$0xFFFFFF90] =	vst v19;
	v19 =	vadd.s32 v0, v17  }
0x3c: {  	v30 =	vld.idx.msk [tilespmem:v30+s12+$0x0], $0xffff;
	[tilespmem:s26+$0x20] =	vst v29;
	v29 =	vadd.s32 v0, v18  }
0x3d: {  	v31 =	vadd.s32 v0, v20;
	v28 =	vld.idx.msk [tilespmem:v28+s12+$0x0], $0xffff  }
0x3e: {  	v32 =	vadd.s32 v5, v23;
	v27 =	vld.idx.msk [tilespmem:v27+s12+$0x0], $0xffff;
	[tilespmem:s26+$0xFFFFFF20] =	vst v22  }
0x3f: {  	v22 =	vld.idx.msk [tilespmem:v26+s12+$0x0], $0xffff;
	v26 =	vadd.s32 v2, v25  }
0x40: {  	v33 =	vadd.s32 v5, v21;
	v19 =	vld.idx.msk [tilespmem:v19+s12+$0x0], $0xffff  }
0x41: {  	v34 =	vadd.s32 v2, v17;
	v29 =	vld.idx.msk [tilespmem:v29+s12+$0x0], $0xffff  }
0x42: {  	[tilespmem:s26+$0x30] =	vst v28;
	v28 =	vld.idx.msk [tilespmem:v31+s12+$0x0], $0xffff;
	v31 =	vadd.s32 v2, v18  }
0x43: {  	[tilespmem:s26+$0x80] =	vst v30;
	v30 =	vadd.s32 v2, v20;
	v32 =	vld.idx.msk [tilespmem:v32+s12+$0x0], $0xffff  }
0x44: {  	v35 =	vadd.s32 v6, v23;
	s24 =	simm.s32 $0xD780;
	[tilespmem:s26+$0xFFFFFF30] =	vst v22;
	v22 =	vld.idx.msk [tilespmem:v26+s12+$0x0], $0xffff  }
0x45: {  	v41 =	vadd.s32 v4, v24;
	[tilespmem:s24+$0xFFFFFF80] =	vst v19;
	v26 =	vld.idx.msk [tilespmem:v33+s12+$0x0], $0xffff  }
0x46: {  	v19 =	vadd.s32 v3, v25;
	[tilespmem:s24+$0x0] =	vst v29;
	v29 =	vld.idx.msk [tilespmem:v34+s12+$0x0], $0xffff  }
0x47: {  	v39 =	vadd.s32 v6, v21;
	v31 =	vld.idx.msk [tilespmem:v31+s12+$0x0], $0xffff;
	[tilespmem:s24+$0xFFFFFF00] =	vst v28  }
0x48: {  	v40 =	vadd.s32 v3, v17;
	[tilespmem:s26+$0x40] =	vst v32;
	v28 =	vld.idx.msk [tilespmem:v30+s12+$0x0], $0xffff  }
0x49: {  	[tilespmem:s26+$0xFFFFFFA0] =	vst v27;
	v30 =	vadd.s32 v3, v18;
	v32 =	vld.idx.msk [tilespmem:v35+s12+$0x0], $0xffff  }
0x4a: {  	s25 =	simm.s32 $0x38;
	[tilespmem:s26+$0x90] =	vst v22;
	v22 =	vadd.s32 v3, v20;
	v35 =	vld.idx.msk [tilespmem:v41+s12+$0x0], $0xffff  }
0x4b: {  	v36 =	vadd.s32 v5, v24;
	[tilespmem:s26+$0xFFFFFF40] =	vst v26;
	v26 =	vld.idx.msk [tilespmem:v19+s12+$0x0], $0xffff;
	v19 =	vmov s25  }
0x4c: {  	v33 =	vld.idx.msk [tilespmem:v39+s12+$0x0], $0xffff;
	[tilespmem:s24+$0xFFFFFF90] =	vst v29;
	v29 =	vadd.s32 v4, v25;
	v19 =	vshrl.u32 v19, $0x3  }
0x4d: {  	v34 =	vld.idx.msk [tilespmem:v40+s12+$0x0], $0xffff;
	[tilespmem:s24+$0x10] =	vst v31;
	v31 =	vadd.s32 v7, v21;
	v19 =	vshll.u32 v19, v1  }
0x4e: {  	v30 =	vld.idx.msk [tilespmem:v30+s12+$0x0], $0xffff;
	[tilespmem:s24+$0xFFFFFF10] =	vst v28;
	v28 =	vadd.s32 v7, v23;
	v19 =	vbroadcast v19, $0x0  }
0x4f: {  	s25 =	simm.s32 $0x40;
	v27 =	vld.idx.msk [tilespmem:v22+s12+$0x0], $0xffff;
	v22 =	vadd.s32 v4, v18;
	[tilespmem:s26+$0xFFFFFFB0] =	vst v35  }
0x50: {  	v46 =	vadd.s32 v8, v23;
	v23 =	vmov s25;
	[tilespmem:s26+$0xA0] =	vst v26;
	v26 =	vadd.s32 v0, v19;
	v35 =	vld.idx.msk [tilespmem:v36+s12+$0x0], $0xffff  }
0x51: {  	v37 =	vadd.s32 v4, v20;
	v23 =	vshrl.u32 v23, $0x3;
	[tilespmem:s26+$0xFFFFFF50] =	vst v33;
	v29 =	vld.idx.msk [tilespmem:v29+s12+$0x0], $0xffff  }
0x52: {  	v47 =	vadd.s32 v6, v24;
	s31 =	simm.s32 $0x48;
	[tilespmem:s26+$0x50] =	vst v32;
	v23 =	vshll.u32 v23, v1;
	v31 =	vld.idx.msk [tilespmem:v31+s12+$0x0], $0xffff  }
0x53: {  	v43 =	vadd.s32 v5, v25;
	v42 =	vmov s31;
	v23 =	vbroadcast v23, $0x0;
	[tilespmem:s24+$0x20] =	vst v30;
	v28 =	vld.idx.msk [tilespmem:v28+s12+$0x0], $0xffff  }
0x54: {  	v45 =	vadd.s32 v8, v21;
	s1 =	simm.s32 $0x50;
	v30 =	vshrl.u32 v42, $0x3;
	v38 =	vld.idx.msk [tilespmem:v22+s12+$0x0], $0xffff  }
0x55: {  	v44 =	vmov s1;
	v49 =	vadd.s32 v0, v23;
	v22 =	vshll.u32 v30, v1;
	[tilespmem:s24+$0xFFFFFF20] =	vst v27;
	v26 =	vld.idx.msk [tilespmem:v26+s12+$0x0], $0xffff  }
0x56: {  	v30 =	vshrl.u32 v44, $0x3;
	v21 =	vbroadcast v22, $0x0;
	v37 =	vld.idx.msk [tilespmem:v37+s12+$0x0], $0xffff;
	[tilespmem:s26+$0xFFFFFFC0] =	vst v35  }
0x57: {  	v22 =	vshll.u32 v30, v1;
	v30 =	vadd.s32 v5, v18;
	[tilespmem:s26+$0xB0] =	vst v29;
	v32 =	vld.idx.msk [tilespmem:v47+s12+$0x0], $0xffff  }
0x58: {  	v22 =	vbroadcast v22, $0x0;
	v29 =	vadd.s32 v0, v21;
	v33 =	vld.idx.msk [tilespmem:v43+s12+$0x0], $0xffff;
	[tilespmem:s26+$0xFFFFFF60] =	vst v31  }
0x59: {  	v52 =	vadd.s32 v2, v19;
	[tilespmem:s24+$0xFFFFFFA0] =	vst v34;
	v31 =	vld.idx.msk [tilespmem:v45+s12+$0x0], $0xffff  }
0x5a: {  	v39 =	vadd.s32 v0, v22;
	[tilespmem:s26+$0x60] =	vst v28;
	v54 =	vld.idx.msk [tilespmem:v49+s12+$0x0], $0xffff  }
0x5b: {  	v28 =	vadd.s32 v6, v25;
	[tilespmem:s24+$0x30] =	vst v38;
	v27 =	vld.idx.msk [tilespmem:v46+s12+$0x0], $0xffff  }
0x5c: {  	v48 =	vadd.s32 v5, v20;
	v30 =	vld.idx.msk [tilespmem:v30+s12+$0x0], $0xffff;
	[tilespmem:s24+$0xFFFFFF30] =	vst v37  }
0x5d: {  	v56 =	vadd.s32 v2, v23;
	[tilespmem:s24+$0x80] =	vst v26;
	v29 =	vld.idx.msk [tilespmem:v29+s12+$0x0], $0xffff  }
0x5e: {  	v51 =	vadd.s32 v6, v18;
	[tilespmem:s26+$0xC0] =	vst v33;
	v33 =	vld.idx.msk [tilespmem:v52+s12+$0x0], $0xffff  }
0x5f: {  	s28 =	simm.s32 $0xD980;
	v53 =	vadd.s32 v2, v21;
	v50 =	vld.idx.msk [tilespmem:v39+s12+$0x0], $0xffff;
	[tilespmem:s26+$0xFFFFFF70] =	vst v31  }
0x60: {  	v59 =	vadd.s32 v3, v19;
	v28 =	vld.idx.msk [tilespmem:v28+s12+$0x0], $0xffff;
	[tilespmem:s28+$0xFFFFFF00] =	vst v54  }
0x61: {  	v31 =	vld.idx.msk [tilespmem:v48+s12+$0x0], $0xffff;
	[tilespmem:s24+$0x40] =	vst v30;
	v30 =	vadd.s32 v7, v24  }
0x62: {  	v55 =	vadd.s32 v2, v22;
	[tilespmem:s26+$0xFFFFFFD0] =	vst v32;
	v34 =	vld.idx.msk [tilespmem:v56+s12+$0x0], $0xffff  }
0x63: {  	v58 =	vadd.s32 v6, v20;
	v26 =	vld.idx.msk [tilespmem:v51+s12+$0x0], $0xffff;
	[tilespmem:s28+$0xFFFFFF80] =	vst v29  }
0x64: {  	v29 =	vadd.s32 v7, v25;
	[tilespmem:s24+$0x90] =	vst v33;
	v57 =	vld.idx.msk [tilespmem:v53+s12+$0x0], $0xffff  }
0x65: {  	[tilespmem:s26+$0xD0] =	vst v28;
	v28 =	vadd.s32 v3, v21;
	v62 =	vld.idx.msk [tilespmem:v59+s12+$0x0], $0xffff  }
0x66: {  	v61 =	vadd.s32 v3, v23;
	[tilespmem:s28+$0x0] =	vst v50;
	v30 =	vld.idx.msk [tilespmem:v30+s12+$0x0], $0xffff  }
0x67: {  	v24 =	vadd.s32 v8, v24;
	[tilespmem:s24+$0xFFFFFF40] =	vst v31;
	v36 =	vld.idx.msk [tilespmem:v55+s12+$0x0], $0xffff  }
0x68: {  	v60 =	vadd.s32 v3, v22;
	v37 =	vld.idx.msk [tilespmem:v58+s12+$0x0], $0xffff;
	[tilespmem:s28+$0xFFFFFF10] =	vst v34  }
0x69: {  	v41 =	vadd.s32 v4, v19;
	v31 =	vld.idx.msk [tilespmem:v29+s12+$0x0], $0xffff;
	[tilespmem:s28+$0xFFFFFF90] =	vst v57  }
0x6a: {  	s31 =	simm.s32 $0x58;
	v25 =	vadd.s32 v8, v25;
	[tilespmem:s24+$0x50] =	vst v26;
	v63 =	vld.idx.msk [tilespmem:v28+s12+$0x0], $0xffff  }
0x6b: {  	v40 =	vadd.s32 v4, v17;
	v26 =	vmov s31;
	v28 =	vld.idx.msk [tilespmem:v61+s12+$0x0], $0xffff;
	[tilespmem:s26+$0xFFFFFFE0] =	vst v30  }
0x6c: {  	[tilespmem:s28+$0x10] =	vst v36;
	v36 =	vadd.s32 v7, v20;
	v29 =	vld.idx.msk [tilespmem:v24+s12+$0x0], $0xffff;
	v24 =	vshrl.u32 v26, $0x3  }
0x6d: {  	v34 =	vadd.s32 v7, v18;
	[tilespmem:s24+$0xA0] =	vst v62;
	v32 =	vld.idx.msk [tilespmem:v60+s12+$0x0], $0xffff;
	v24 =	vshll.u32 v24, v1  }
0x6e: {  	v35 =	vadd.s32 v4, v22;
	v33 =	vld.idx.msk [tilespmem:v41+s12+$0x0], $0xffff;
	[tilespmem:s26+$0xE0] =	vst v31;
	v24 =	vbroadcast v24, $0x0  }
0x6f: {  	[tilespmem:s24+$0xFFFFFF50] =	vst v37;
	v26 =	vadd.s32 v5, v17;
	v30 =	vld.idx.msk [tilespmem:v25+s12+$0x0], $0xffff  }
0x70: {  	s29 =	simm.s32 $0x8;
	s30 =	simm.s32 $0x60;
	s25 =	smul.u32 $0x3, s23;
	v31 =	vld.idx.msk [tilespmem:v40+s12+$0x0], $0xffff;
	v25 =	vadd.s32 v5, v21;
	[tilespmem:s28+$0xFFFFFFA0] =	vst v63;
	v37 =	vadd.s32 v0, v24  }
.LBB2_3:
0x71: {  	s0 =	sadd.s32 $0x8, s30;
	s29 =	sadd.s32 $0x4, s29;
	v36 =	vld.idx.msk [tilespmem:v36+s12+$0x0], $0xffff;
	[tilespmem:s26+$0x70] =	vst v27  }
0x72: {  	v27 =	vmov s0;
	s0 =	sadd.s32 $0x10, s30;
	p1 =	slt.u32 s29, $0x78;
	[tilespmem:s28+$0x20] =	vst v32;
	v32 =	vld.idx.msk [tilespmem:v34+s12+$0x0], $0xffff;
	v34 =	vadd.s32 v5, v19  }
0x73: {  	v39 =	vadd.s32 v4, v23;
	v27 =	vshrl.u32 v27, $0x3;
	v38 =	vmov s0;
	v35 =	vld.idx.msk [tilespmem:v35+s12+$0x0], $0xffff;
	[tilespmem:s26+$0xFFFFFFF0] =	vst v29  }
0x74: {  	v27 =	vshll.u32 v27, v1;
	v29 =	vshrl.u32 v38, $0x3;
	v38 =	vadd.s32 v8, v20;
	[tilespmem:s26+$0xF0] =	vst v30;
	v20 =	vmovc v23;
	s26 =	smov.u32 s24;
	s24 =	smov.u32 s28  }
0x75: {  	v30 =	vbroadcast v27, $0x0;
	v23 =	vshll.u32 v29, v1;
	v27 =	vadd.s32 v5, v22;
	v29 =	vld.idx.msk [tilespmem:v37+s12+$0x0], $0xffff;
	[tilespmem:s26+$0xFFFFFFB0] =	vst v31  }
0x76: {  	v40 =	vadd.s32 v8, v18;
	v18 =	vmovc v22;
	v31 =	vmov s30;
	v37 =	vld.idx.msk [tilespmem:v26+s12+$0x0], $0xffff;
	[tilespmem:s26+$0xB0] =	vst v33;
	v22 =	vbroadcast v23, $0x0;
	v26 =	vmovc v25  }
0x77: {  	v23 =	vshrl.u32 v31, $0x3;
	v31 =	vadd.s32 v0, v30;
	v25 =	vadd.s32 v5, v30;
	[tilespmem:s28+$0xFFFFFF20] =	vst v28;
	v28 =	vld.idx.msk [tilespmem:v34+s12+$0x0], $0xffff  }
0x78: {  	v23 =	vshll.u32 v23, v1;
	v33 =	vadd.s32 v0, v22;
	v34 =	vld.idx.msk [tilespmem:v39+s12+$0x0], $0xffff;
	[tilespmem:s26+$0xFFFFFF60] =	vst v36  }
0x79: {  	v23 =	vbroadcast v23, $0x0;
	v36 =	vadd.s32 v6, v17;
	[tilespmem:s28+$0x30] =	vst v35;
	v35 =	vld.idx.msk [tilespmem:v38+s12+$0x0], $0xffff  }
0x7a: {  	v38 =	vld.idx.msk [tilespmem:v27+s12+$0x0], $0xffff;
	[tilespmem:s26+$0x60] =	vst v32;
	v32 =	vadd.s32 v6, v19  }
0x7b: {  	v41 =	vadd.s32 v5, v20;
	v39 =	vadd.s32 v0, v23;
	v27 =	vld.idx.msk [tilespmem:v40+s12+$0x0], $0xffff  }
0x7c: {  	v31 =	vld.idx.msk [tilespmem:v31+s12+$0x0], $0xffff;
	[tilespmem:s26+$0xFFFFFFC0] =	vst v37  }
0x7d: {  	v37 =	vadd.s32 v6, v18;
	v33 =	vld.idx.msk [tilespmem:v33+s12+$0x0], $0xffff;
	[tilespmem:s26+$0xC0] =	vst v28  }
0x7e: {  	v28 =	vadd.s32 v2, v30;
	[tilespmem:s28+$0xFFFFFF30] =	vst v34;
	v34 =	vadd.s32 v2, v24;
	v36 =	vld.idx.msk [tilespmem:v36+s12+$0x0], $0xffff  }
0x7f: {  	[tilespmem:s26+$0xFFFFFF70] =	vst v35;
	v32 =	vld.idx.msk [tilespmem:v32+s12+$0x0], $0xffff  }
0x80: {  	v35 =	vld.idx.msk [tilespmem:v41+s12+$0x0], $0xffff;
	[tilespmem:s28+$0x40] =	vst v38;
	v38 =	vadd.s32 v7, v17  }
0x81: {  	v40 =	vadd.s32 v2, v22;
	s28 =	sadd.s32 $0x200, s28;
	v39 =	vld.idx.msk [tilespmem:v39+s12+$0x0], $0xffff;
	[tilespmem:s24+$0x80] =	vst v29  }
0x82: {  	v29 =	vadd.s32 v2, v23;
	[tilespmem:s28+$0xFFFFFF80] =	vst v31;
	v31 =	vld.idx.msk [tilespmem:v37+s12+$0x0], $0xffff;
	v37 =	vadd.s32 v7, v19  }
0x83: {  	[tilespmem:s28+$0x0] =	vst v33;
	v33 =	vld.idx.msk [tilespmem:v34+s12+$0x0], $0xffff  }
0x84: {  	v34 =	vadd.s32 v6, v20;
	v28 =	vld.idx.msk [tilespmem:v28+s12+$0x0], $0xffff;
	[tilespmem:s26+$0xFFFFFFD0] =	vst v36  }
0x85: {  	v36 =	vadd.s32 v3, v24;
	v38 =	vld.idx.msk [tilespmem:v38+s12+$0x0], $0xffff;
	[tilespmem:s26+$0xD0] =	vst v32  }
0x86: {  	v32 =	vadd.s32 v3, v30;
	v40 =	vld.idx.msk [tilespmem:v40+s12+$0x0], $0xffff;
	[tilespmem:s24+$0xFFFFFF40] =	vst v35  }
0x87: {  	v35 =	vadd.s32 v8, v17;
	v17 =	vmov v21;
	v21 =	vmov v30;
	[tilespmem:s28+$0xFFFFFF00] =	vst v39;
	v37 =	vld.idx.msk [tilespmem:v37+s12+$0x0], $0xffff  }
0x88: {  	v39 =	vadd.s32 v3, v22;
	v30 =	vld.idx.msk [tilespmem:v29+s12+$0x0], $0xffff;
	[tilespmem:s24+$0x50] =	vst v31  }
0x89: {  	v31 =	vld.idx.msk [tilespmem:v34+s12+$0x0], $0xffff;
	[tilespmem:s24+$0x90] =	vst v33;
	v33 =	vadd.s32 v8, v19;
	v19 =	vmov v24  }
0x8a: {  	v24 =	vadd.s32 v3, v23;
	[tilespmem:s28+$0xFFFFFF90] =	vst v28;
	v41 =	vld.idx.msk [tilespmem:v36+s12+$0x0], $0xffff  }
0x8b: {  	s0 =	sadd.s32 $0x18, s30;
	v43 =	vadd.s32 v4, v17;
	v42 =	vld.idx.msk [tilespmem:v32+s12+$0x0], $0xffff;
	[tilespmem:s26+$0xFFFFFFE0] =	vst v38  }
0x8c: {  	v28 =	vmov s0;
	v38 =	vadd.s32 v4, v19;
	[tilespmem:s28+$0x10] =	vst v40;
	v29 =	vld.idx.msk [tilespmem:v35+s12+$0x0], $0xffff  }
.Ltmp2:
0x8d: {  	v36 =	vadd.s32 v7, v20;
	v28 =	vshrl.u32 v28, $0x3;
	v32 =	vld.idx.msk [tilespmem:v39+s12+$0x0], $0xffff;
	[tilespmem:s26+$0xE0] =	vst v37;
	(pc) =	sbr.rel @p1 .LBB2_3-.Ltmp2, $4  }
0x8e: {  	v34 =	vadd.s32 v7, v18;
	v37 =	vshll.u32 v28, v1;
	[tilespmem:s28+$0xFFFFFF10] =	vst v30;
	v30 =	vld.idx.msk [tilespmem:v33+s12+$0x0], $0xffff  }
0x8f: {  	v35 =	vadd.s32 v4, v22;
	v28 =	vld.idx.msk [tilespmem:v24+s12+$0x0], $0xffff;
	v24 =	vbroadcast v37, $0x0;
	[tilespmem:s24+$0xFFFFFF50] =	vst v31  }
0x90: {  	v31 =	vld.idx.msk [tilespmem:v43+s12+$0x0], $0xffff;
	[tilespmem:s24+$0xA0] =	vst v41  }
0x91: {  	s30 =	sadd.s32 $0x20, s30;
	[tilespmem:s28+$0xFFFFFFA0] =	vst v42;
	v37 =	vadd.s32 v0, v24;
	v33 =	vld.idx.msk [tilespmem:v38+s12+$0x0], $0xffff  }
0x92: {  	_ =	sdelay $0x3  }
0x93: {  	v37 =	vld.idx.msk [tilespmem:v37+s12+$0x0], $0xffff  }
0x94: {  	v38 =	vadd.s32 v2, v24;
	_ =	sdelay $0x3  }
0x95: {  	[tilespmem:s28+$0x80] =	vst v37  }
0x96: {  	v37 =	vld.idx.msk [tilespmem:v38+s12+$0x0], $0xffff  }
0x97: {  	[tilespmem:s26+$0x70] =	vst v27;
	v59 =	vadd.s32 v3, v24  }
0x98: {  	[tilespmem:s28+$0x20] =	vst v32  }
0x99: {  	[tilespmem:s26+$0xFFFFFFF0] =	vst v29  }
0x9a: {  	v60 =	vld.idx.msk [tilespmem:v36+s12+$0x0], $0xffff;
	v61 =	vadd.s32 v4, v23;
	[tilespmem:s26+$0xF0] =	vst v30  }
0x9b: {  	v63 =	vadd.s32 v4, v21;
	v34 =	vld.idx.msk [tilespmem:v34+s12+$0x0], $0xffff;
	[tilespmem:s28+$0x90] =	vst v37  }
0x9c: {  	v62 =	vadd.s32 v5, v19;
	[tilespmem:s28+$0xFFFFFF20] =	vst v28;
	v27 =	vld.idx.msk [tilespmem:v59+s12+$0x0], $0xffff  }
0x9d: {  	v36 =	vadd.s32 v4, v24;
	v35 =	vld.idx.msk [tilespmem:v35+s12+$0x0], $0xffff;
	[tilespmem:s24+$0xFFFFFFB0] =	vst v31  }
0x9e: {  	v20 =	vadd.s32 v8, v20;
	[tilespmem:s24+$0xB0] =	vst v33;
	v26 =	vld.idx.msk [tilespmem:v26+s12+$0x0], $0xffff  }
0x9f: {  	v18 =	vadd.s32 v8, v18;
	v32 =	vld.idx.msk [tilespmem:v61+s12+$0x0], $0xffff;
	[tilespmem:s24+$0xFFFFFF60] =	vst v60  }
0xa0: {  	v39 =	vadd.s32 v5, v23;
	v31 =	vld.idx.msk [tilespmem:v63+s12+$0x0], $0xffff;
	[tilespmem:s24+$0x60] =	vst v34  }
0xa1: {  	v38 =	vld.idx.msk [tilespmem:v62+s12+$0x0], $0xffff;
	[tilespmem:s28+$0xA0] =	vst v27  }
0xa2: {  	[tilespmem:s28+$0x30] =	vst v35;
	v37 =	vadd.s32 v5, v22;
	v27 =	vld.idx.msk [tilespmem:v36+s12+$0x0], $0xffff  }
0xa3: {  	v41 =	vadd.s32 v5, v24;
	v20 =	vld.idx.msk [tilespmem:v20+s12+$0x0], $0xffff;
	[tilespmem:s24+$0xFFFFFFC0] =	vst v26  }
0xa4: {  	v40 =	vadd.s32 v6, v17;
	v18 =	vld.idx.msk [tilespmem:v18+s12+$0x0], $0xffff;
	[tilespmem:s28+$0xFFFFFF30] =	vst v32  }
0xa5: {  	v42 =	vadd.s32 v6, v19;
	[tilespmem:s28+$0xFFFFFFB0] =	vst v31;
	v44 =	vld.idx.msk [tilespmem:v39+s12+$0x0], $0xffff  }
0xa6: {  	v46 =	vadd.s32 v6, v23;
	[tilespmem:s24+$0xC0] =	vst v38;
	v25 =	vld.idx.msk [tilespmem:v25+s12+$0x0], $0xffff  }
0xa7: {  	v49 =	vadd.s32 v6, v21;
	v28 =	vld.idx.msk [tilespmem:v37+s12+$0x0], $0xffff;
	[tilespmem:s28+$0xB0] =	vst v27  }
0xa8: {  	v43 =	vadd.s32 v6, v22;
	[tilespmem:s24+$0xFFFFFF70] =	vst v20;
	v48 =	vld.idx.msk [tilespmem:v41+s12+$0x0], $0xffff  }
0xa9: {  	v51 =	vadd.s32 v6, v24;
	v45 =	vld.idx.msk [tilespmem:v40+s12+$0x0], $0xffff;
	[tilespmem:s24+$0x70] =	vst v18  }
0xaa: {  	v47 =	vadd.s32 v7, v17;
	v50 =	vld.idx.msk [tilespmem:v42+s12+$0x0], $0xffff;
	[tilespmem:s28+$0xFFFFFF40] =	vst v44  }
0xab: {  	v52 =	vadd.s32 v7, v19;
	[tilespmem:s28+$0xFFFFFFC0] =	vst v25;
	v29 =	vld.idx.msk [tilespmem:v46+s12+$0x0], $0xffff  }
0xac: {  	v53 =	vadd.s32 v7, v23;
	v55 =	vld.idx.msk [tilespmem:v49+s12+$0x0], $0xffff;
	[tilespmem:s28+$0x40] =	vst v28  }
0xad: {  	v57 =	vadd.s32 v7, v21;
	v32 =	vld.idx.msk [tilespmem:v43+s12+$0x0], $0xffff;
	[tilespmem:s28+$0xC0] =	vst v48  }
0xae: {  	v54 =	vadd.s32 v7, v22;
	[tilespmem:s24+$0xFFFFFFD0] =	vst v45;
	v56 =	vld.idx.msk [tilespmem:v51+s12+$0x0], $0xffff  }
0xaf: {  	v59 =	vadd.s32 v7, v24;
	v30 =	vld.idx.msk [tilespmem:v47+s12+$0x0], $0xffff;
	[tilespmem:s24+$0xD0] =	vst v50  }
0xb0: {  	v17 =	vadd.s32 v8, v17;
	v58 =	vld.idx.msk [tilespmem:v52+s12+$0x0], $0xffff;
	[tilespmem:s28+$0xFFFFFF50] =	vst v29  }
0xb1: {  	v19 =	vadd.s32 v8, v19;
	[tilespmem:s28+$0xFFFFFFD0] =	vst v55;
	v29 =	vld.idx.msk [tilespmem:v53+s12+$0x0], $0xffff  }
0xb2: {  	v60 =	vadd.s32 v8, v23;
	v62 =	vld.idx.msk [tilespmem:v57+s12+$0x0], $0xffff;
	[tilespmem:s28+$0x50] =	vst v32  }
0xb3: {  	v63 =	vadd.s32 v8, v21;
	v25 =	vld.idx.msk [tilespmem:v54+s12+$0x0], $0xffff;
	[tilespmem:s28+$0xD0] =	vst v56  }
0xb4: {  	v61 =	vadd.s32 v8, v22;
	[tilespmem:s24+$0xFFFFFFE0] =	vst v30;
	v26 =	vld.idx.msk [tilespmem:v59+s12+$0x0], $0xffff  }
0xb5: {  	v18 =	vadd.s32 v8, v24;
	v17 =	vld.idx.msk [tilespmem:v17+s12+$0x0], $0xffff;
	[tilespmem:s24+$0xE0] =	vst v58  }
0xb6: {  	v19 =	vld.idx.msk [tilespmem:v19+s12+$0x0], $0xffff;
	[tilespmem:s28+$0xFFFFFF60] =	vst v29  }
0xb7: {  	[tilespmem:s28+$0xFFFFFFE0] =	vst v62;
	v23 =	vld.idx.msk [tilespmem:v60+s12+$0x0], $0xffff  }
0xb8: {  	v21 =	vld.idx.msk [tilespmem:v63+s12+$0x0], $0xffff;
	[tilespmem:s28+$0x60] =	vst v25  }
0xb9: {  	v20 =	vld.idx.msk [tilespmem:v61+s12+$0x0], $0xffff;
	[tilespmem:s28+$0xE0] =	vst v26  }
0xba: {  	[tilespmem:s24+$0xFFFFFFF0] =	vst v17;
	v17 =	vld.idx.msk [tilespmem:v18+s12+$0x0], $0xffff  }
0xbb: {  	[tilespmem:s24+$0xF0] =	vst v19  }
0xbc: {  	[tilespmem:s28+$0xFFFFFF70] =	vst v23  }
0xbd: {  	[tilespmem:s28+$0xFFFFFFF0] =	vst v21  }
0xbe: {  	[tilespmem:s28+$0x70] =	vst v20  }
0xbf: {  	[tilespmem:s28+$0xF0] =	vst v17  }
0xc0: {  	v17 =	vld.idx.msk [tilespmem:v9+s12+$0x0], $0xffff;
	_ =	sdelay $0x4  }
0xc1: {  	[tilespmem:$0x11280] =	vst v17  }
0xc2: {  	v17 =	vld.idx.msk [tilespmem:v10+s12+$0x0], $0xffff;
	_ =	sdelay $0x4  }
0xc3: {  	[tilespmem:$0x11290] =	vst v17  }
0xc4: {  	v17 =	vld.idx.msk [tilespmem:v11+s12+$0x0], $0xffff;
	_ =	sdelay $0x4  }
0xc5: {  	[tilespmem:$0x112A0] =	vst v17  }
0xc6: {  	v17 =	vld.idx.msk [tilespmem:v12+s12+$0x0], $0xffff;
	_ =	sdelay $0x4  }
0xc7: {  	[tilespmem:$0x112B0] =	vst v17  }
0xc8: {  	v17 =	vld.idx.msk [tilespmem:v13+s12+$0x0], $0xffff;
	_ =	sdelay $0x4  }
0xc9: {  	[tilespmem:$0x112C0] =	vst v17  }
0xca: {  	v17 =	vld.idx.msk [tilespmem:v14+s12+$0x0], $0xffff;
	_ =	sdelay $0x4  }
0xcb: {  	[tilespmem:$0x112D0] =	vst v17  }
0xcc: {  	v17 =	vld.idx.msk [tilespmem:v15+s12+$0x0], $0xffff;
	_ =	sdelay $0x4  }
0xcd: {  	s0 =	sshrl.u32 s25, $0x3;
	s30 =	smul.u32 $0x30, s23;
	[tilespmem:$0x112E0] =	vst v17  }
0xce: {  	s0 =	smul.u32 $0x3E8000, s0;
	v17 =	vld.idx.msk [tilespmem:v16+s12+$0x0], $0xffff  }
0xcf: {  	s24 =	sand.u32 $0x70, s30  }
0xd0: {  	s0 =	sor.u32 s24, s0  }
0xd1: {  	s0 =	sor.u32 s6, s0  }
0xd2: {  	s0 =	sshrl.u32 s0, $0x3  }
0xd3: {  	s31 =	simm.s32 $0xD480;
	s24 =	simm.s32 $0x200;
	s0 =	sadd.s32 s2, s0;
	[tilespmem:$0x112F0] =	vst v17  }
0xd4: {  	[hbm4b:s0+s11] =	stream.strided.scatter [tilespmem:s31], [sflag:$0x4], $0x80, s8, s11, $0x38;
	[tilespmem:$0x19000] =	vst v63  }
.LBB2_5:
0xd5: {  	p1 =	sne.s32 s24, $0xF800  }
.Ltmp3:
0xd6: {  	_ = 	snop;
	(pc) =	sbr.rel @p1 .LBB2_5-.Ltmp3, $4  }
0xd7: {  	_ = 	snop  }
0xd8: {  	s26 =	sshra.s32 s24, $0x2;
	s24 =	sadd.s32 $0x200, s24  }
0xd9: {  	s0 =	sadd.s32 $0x1000, s0;
	s26 =	sadd.s32 $0xD480, s26  }
0xda: {  	[hbm4b:s0+s11] =	stream.strided.scatter [tilespmem:s26], [sflag:$0x4], $0x80, s8, s11, $0x38;
	[tilespmem:$0x19000] =	vst v63  }
0xdb: {  	p1 =	seq.s32 s23, $0x85  }
.Ltmp4:
0xdc: {  	_ = 	snop;
	(pc) =	sbr.rel @p1 .LBB2_20-.Ltmp4, $1  }
0xdd: {  	_ =	sdelay $0x3  }
0xde: {  	s24 =	smul.u32 $0xC0, s23  }
0xdf: {  	s0 =	simm.s32 $0x10  }
0xe0: {  	v17 =	vmov s0;
	s26 =	sadd.s32 $0xC0, s24  }
0xe1: {  	s1 =	simm.s32 $0x0;
	v17 =	vshrl.u32 v17, $0x3;
	s26 =	sand.u32 $0x1FFC0, s26  }
0xe2: {  	v18 =	vmov s1;
	v17 =	vshll.u32 v17, v1;
	s0 =	sshrl.u32 s26, $0x2  }
0xe3: {  	v23 =	vbroadcast v17, $0x0;
	v17 =	vshrl.u32 v18, $0x3;
	[tilespmem:s12], [sflag:$0x1] =	stream.indirect.gather [hbm4b:s4+s11], $0x3E8, s0, s11, $0xb8;
	[tilespmem:$0x19000] =	vst v63  }
0xe4: {  	s1 =	simm.s32 $0x8;
	v17 =	vshll.u32 v17, v1;
	_ =	swait.ge [sflag:s20], $0x3E80  }
0xe5: {  	v18 =	vmov s1;
	v19 =	vadd.s32 v0, v23;
	v21 =	vbroadcast v17, $0x0;
	[sflag:s20] =	ssyncset.done $0x0  }
0xe6: {  	s0 =	simm.s32 @!p0 $0x5;
	v17 =	vshrl.u32 v18, $0x3;
	[sflag:s20] =	ssyncadd.s32 $0xFFFFC180  }
0xe7: {  	v17 =	vshll.u32 v17, v1;
	v18 =	vadd.s32 v0, v21;
	_ =	swait.ge @!p0 [sflag:s0], $0x3E80  }
0xe8: {  	v24 =	vbroadcast v17, $0x0;
	[sflag:s0] =	ssyncset.done @!p0 $0x0  }
0xe9: {  	[sflag:s0] =	ssyncadd.s32 @!p0 $0xFFFFC180  }
0xea: {  	v17 =	vadd.s32 v0, v24;
	v19 =	vld.idx.msk [tilespmem:v19+s13+$0x0], $0xffff  }
0xeb: {  	v20 =	vadd.s32 v2, v23  }
0xec: {  	v18 =	vld.idx.msk [tilespmem:v18+s13+$0x0], $0xffff  }
0xed: {  	v22 =	vadd.s32 v2, v21  }
0xee: {  	s28 =	simm.s32 $0x11400  }
0xef: {  	v17 =	vld.idx.msk [tilespmem:v17+s13+$0x0], $0xffff;
	[tilespmem:s28+$0x0] =	vst v19  }
0xf0: {  	s26 =	simm.s32 $0x18;
	v19 =	vadd.s32 v2, v24;
	v20 =	vld.idx.msk [tilespmem:v20+s13+$0x0], $0xffff  }
0xf1: {  	v25 =	vmov s26;
	[tilespmem:s28+$0xFFFFFF00] =	vst v18;
	v18 =	vadd.s32 v3, v23  }
0xf2: {  	v25 =	vshrl.u32 v25, $0x3;
	v22 =	vld.idx.msk [tilespmem:v22+s13+$0x0], $0xffff  }
0xf3: {  	v25 =	vshll.u32 v25, v1;
	v26 =	vadd.s32 v3, v21  }
0xf4: {  	s1 =	simm.s32 $0x28;
	v25 =	vbroadcast v25, $0x0;
	[tilespmem:s28+$0xFFFFFF80] =	vst v17  }
0xf5: {  	s26 =	simm.s32 $0x30;
	v28 =	vadd.s32 v4, v23;
	v27 =	vadd.s32 v3, v24;
	v17 =	vmov s1;
	v19 =	vld.idx.msk [tilespmem:v19+s13+$0x0], $0xffff;
	[tilespmem:s28+$0x10] =	vst v20  }
0xf6: {  	v30 =	vadd.s32 v0, v25;
	s1 =	simm.s32 $0x20;
	v17 =	vshrl.u32 v17, $0x3;
	v29 =	vld.idx.msk [tilespmem:v18+s13+$0x0], $0xffff;
	v18 =	vmov s26  }
0xf7: {  	v17 =	vshll.u32 v17, v1;
	v20 =	vmov s1;
	[tilespmem:s28+$0xFFFFFF10] =	vst v22;
	v18 =	vshrl.u32 v18, $0x3  }
0xf8: {  	v17 =	vbroadcast v17, $0x0;
	v20 =	vshrl.u32 v20, $0x3;
	v22 =	vld.idx.msk [tilespmem:v26+s13+$0x0], $0xffff;
	v18 =	vshll.u32 v18, v1  }
0xf9: {  	v26 =	vadd.s32 v4, v21;
	v20 =	vshll.u32 v20, v1;
	v18 =	vbroadcast v18, $0x0  }
0xfa: {  	v20 =	vbroadcast v20, $0x0;
	[tilespmem:s28+$0xFFFFFF90] =	vst v19;
	v19 =	vadd.s32 v0, v17  }
0xfb: {  	v30 =	vld.idx.msk [tilespmem:v30+s13+$0x0], $0xffff;
	[tilespmem:s28+$0x20] =	vst v29;
	v29 =	vadd.s32 v0, v18  }
0xfc: {  	v31 =	vadd.s32 v0, v20;
	v28 =	vld.idx.msk [tilespmem:v28+s13+$0x0], $0xffff  }
0xfd: {  	v32 =	vadd.s32 v5, v23;
	v27 =	vld.idx.msk [tilespmem:v27+s13+$0x0], $0xffff;
	[tilespmem:s28+$0xFFFFFF20] =	vst v22  }
0xfe: {  	v22 =	vld.idx.msk [tilespmem:v26+s13+$0x0], $0xffff;
	v26 =	vadd.s32 v2, v25  }
0xff: {  	v33 =	vadd.s32 v5, v21;
	v19 =	vld.idx.msk [tilespmem:v19+s13+$0x0], $0xffff  }
0x100: {  	v34 =	vadd.s32 v2, v17;
	v29 =	vld.idx.msk [tilespmem:v29+s13+$0x0], $0xffff  }
0x101: {  	[tilespmem:s28+$0x30] =	vst v28;
	v28 =	vld.idx.msk [tilespmem:v31+s13+$0x0], $0xffff;
	v31 =	vadd.s32 v2, v18  }
0x102: {  	[tilespmem:s28+$0x80] =	vst v30;
	v30 =	vadd.s32 v2, v20;
	v32 =	vld.idx.msk [tilespmem:v32+s13+$0x0], $0xffff  }
0x103: {  	v35 =	vadd.s32 v6, v23;
	s26 =	simm.s32 $0x11600;
	[tilespmem:s28+$0xFFFFFF30] =	vst v22;
	v22 =	vld.idx.msk [tilespmem:v26+s13+$0x0], $0xffff  }
0x104: {  	v41 =	vadd.s32 v4, v24;
	v26 =	vld.idx.msk [tilespmem:v33+s13+$0x0], $0xffff;
	[tilespmem:s26+$0xFFFFFF80] =	vst v19  }
0x105: {  	v19 =	vadd.s32 v3, v25;
	[tilespmem:s26+$0x0] =	vst v29;
	v29 =	vld.idx.msk [tilespmem:v34+s13+$0x0], $0xffff  }
0x106: {  	v39 =	vadd.s32 v6, v21;
	v31 =	vld.idx.msk [tilespmem:v31+s13+$0x0], $0xffff;
	[tilespmem:s26+$0xFFFFFF00] =	vst v28  }
0x107: {  	v40 =	vadd.s32 v3, v17;
	[tilespmem:s28+$0x40] =	vst v32;
	v28 =	vld.idx.msk [tilespmem:v30+s13+$0x0], $0xffff  }
0x108: {  	[tilespmem:s28+$0xFFFFFFA0] =	vst v27;
	v30 =	vadd.s32 v3, v18;
	v32 =	vld.idx.msk [tilespmem:v35+s13+$0x0], $0xffff  }
0x109: {  	s1 =	simm.s32 $0x38;
	[tilespmem:s28+$0x90] =	vst v22;
	v22 =	vadd.s32 v3, v20;
	v35 =	vld.idx.msk [tilespmem:v41+s13+$0x0], $0xffff  }
0x10a: {  	v36 =	vadd.s32 v5, v24;
	[tilespmem:s28+$0xFFFFFF40] =	vst v26;
	v26 =	vld.idx.msk [tilespmem:v19+s13+$0x0], $0xffff;
	v19 =	vmov s1  }
0x10b: {  	v33 =	vld.idx.msk [tilespmem:v39+s13+$0x0], $0xffff;
	v19 =	vshrl.u32 v19, $0x3;
	[tilespmem:s26+$0xFFFFFF90] =	vst v29;
	v29 =	vadd.s32 v4, v25  }
0x10c: {  	s1 =	simm.s32 $0x48;
	v19 =	vshll.u32 v19, v1;
	v34 =	vld.idx.msk [tilespmem:v40+s13+$0x0], $0xffff;
	[tilespmem:s26+$0x10] =	vst v31;
	v31 =	vadd.s32 v7, v21  }
0x10d: {  	v42 =	vmov s1;
	s1 =	simm.s32 $0x50;
	v19 =	vbroadcast v19, $0x0;
	v30 =	vld.idx.msk [tilespmem:v30+s13+$0x0], $0xffff;
	[tilespmem:s26+$0xFFFFFF10] =	vst v28;
	v28 =	vadd.s32 v7, v23  }
0x10e: {  	v44 =	vmov s1;
	s1 =	simm.s32 $0x40;
	v27 =	vld.idx.msk [tilespmem:v22+s13+$0x0], $0xffff;
	v22 =	vadd.s32 v4, v18;
	[tilespmem:s28+$0xFFFFFFB0] =	vst v35  }
0x10f: {  	v46 =	vadd.s32 v8, v23;
	v23 =	vmov s1;
	[tilespmem:s28+$0xA0] =	vst v26;
	v26 =	vadd.s32 v0, v19;
	v35 =	vld.idx.msk [tilespmem:v36+s13+$0x0], $0xffff  }
0x110: {  	v37 =	vadd.s32 v4, v20;
	v23 =	vshrl.u32 v23, $0x3;
	[tilespmem:s28+$0xFFFFFF50] =	vst v33;
	v29 =	vld.idx.msk [tilespmem:v29+s13+$0x0], $0xffff  }
0x111: {  	v47 =	vadd.s32 v6, v24;
	[tilespmem:s28+$0x50] =	vst v32;
	v23 =	vshll.u32 v23, v1;
	v31 =	vld.idx.msk [tilespmem:v31+s13+$0x0], $0xffff  }
0x112: {  	v43 =	vadd.s32 v5, v25;
	v23 =	vbroadcast v23, $0x0;
	[tilespmem:s26+$0x20] =	vst v30;
	v28 =	vld.idx.msk [tilespmem:v28+s13+$0x0], $0xffff  }
0x113: {  	v45 =	vadd.s32 v8, v21;
	v30 =	vshrl.u32 v42, $0x3;
	v38 =	vld.idx.msk [tilespmem:v22+s13+$0x0], $0xffff  }
0x114: {  	v49 =	vadd.s32 v0, v23;
	v22 =	vshll.u32 v30, v1;
	v26 =	vld.idx.msk [tilespmem:v26+s13+$0x0], $0xffff;
	[tilespmem:s26+$0xFFFFFF20] =	vst v27  }
0x115: {  	v30 =	vshrl.u32 v44, $0x3;
	v21 =	vbroadcast v22, $0x0;
	v37 =	vld.idx.msk [tilespmem:v37+s13+$0x0], $0xffff;
	[tilespmem:s28+$0xFFFFFFC0] =	vst v35  }
0x116: {  	v22 =	vshll.u32 v30, v1;
	v30 =	vadd.s32 v5, v18;
	[tilespmem:s28+$0xB0] =	vst v29;
	v32 =	vld.idx.msk [tilespmem:v47+s13+$0x0], $0xffff  }
0x117: {  	v22 =	vbroadcast v22, $0x0;
	v29 =	vadd.s32 v0, v21;
	v33 =	vld.idx.msk [tilespmem:v43+s13+$0x0], $0xffff;
	[tilespmem:s28+$0xFFFFFF60] =	vst v31  }
0x118: {  	v52 =	vadd.s32 v2, v19;
	[tilespmem:s26+$0xFFFFFFA0] =	vst v34;
	v31 =	vld.idx.msk [tilespmem:v45+s13+$0x0], $0xffff  }
0x119: {  	v39 =	vadd.s32 v0, v22;
	[tilespmem:s28+$0x60] =	vst v28;
	v54 =	vld.idx.msk [tilespmem:v49+s13+$0x0], $0xffff  }
0x11a: {  	v28 =	vadd.s32 v6, v25;
	[tilespmem:s26+$0x30] =	vst v38;
	v27 =	vld.idx.msk [tilespmem:v46+s13+$0x0], $0xffff  }
0x11b: {  	v48 =	vadd.s32 v5, v20;
	[tilespmem:s26+$0x80] =	vst v26;
	v30 =	vld.idx.msk [tilespmem:v30+s13+$0x0], $0xffff  }
0x11c: {  	v56 =	vadd.s32 v2, v23;
	[tilespmem:s26+$0xFFFFFF30] =	vst v37;
	v29 =	vld.idx.msk [tilespmem:v29+s13+$0x0], $0xffff  }
0x11d: {  	v51 =	vadd.s32 v6, v18;
	[tilespmem:s28+$0xC0] =	vst v33;
	v33 =	vld.idx.msk [tilespmem:v52+s13+$0x0], $0xffff  }
0x11e: {  	s29 =	simm.s32 $0x11800;
	v53 =	vadd.s32 v2, v21;
	v50 =	vld.idx.msk [tilespmem:v39+s13+$0x0], $0xffff;
	[tilespmem:s28+$0xFFFFFF70] =	vst v31  }
0x11f: {  	v59 =	vadd.s32 v3, v19;
	v28 =	vld.idx.msk [tilespmem:v28+s13+$0x0], $0xffff;
	[tilespmem:s29+$0xFFFFFF00] =	vst v54  }
0x120: {  	v31 =	vld.idx.msk [tilespmem:v48+s13+$0x0], $0xffff;
	[tilespmem:s26+$0x40] =	vst v30;
	v30 =	vadd.s32 v7, v24  }
0x121: {  	v55 =	vadd.s32 v2, v22;
	[tilespmem:s28+$0xFFFFFFD0] =	vst v32;
	v34 =	vld.idx.msk [tilespmem:v56+s13+$0x0], $0xffff  }
0x122: {  	v58 =	vadd.s32 v6, v20;
	v26 =	vld.idx.msk [tilespmem:v51+s13+$0x0], $0xffff;
	[tilespmem:s29+$0xFFFFFF80] =	vst v29  }
0x123: {  	v29 =	vadd.s32 v7, v25;
	[tilespmem:s26+$0x90] =	vst v33;
	v57 =	vld.idx.msk [tilespmem:v53+s13+$0x0], $0xffff  }
0x124: {  	[tilespmem:s28+$0xD0] =	vst v28;
	v28 =	vadd.s32 v3, v21;
	v62 =	vld.idx.msk [tilespmem:v59+s13+$0x0], $0xffff  }
0x125: {  	v61 =	vadd.s32 v3, v23;
	[tilespmem:s29+$0x0] =	vst v50;
	v30 =	vld.idx.msk [tilespmem:v30+s13+$0x0], $0xffff  }
0x126: {  	v24 =	vadd.s32 v8, v24;
	[tilespmem:s26+$0xFFFFFF40] =	vst v31;
	v36 =	vld.idx.msk [tilespmem:v55+s13+$0x0], $0xffff  }
0x127: {  	v60 =	vadd.s32 v3, v22;
	v37 =	vld.idx.msk [tilespmem:v58+s13+$0x0], $0xffff;
	[tilespmem:s29+$0xFFFFFF10] =	vst v34  }
0x128: {  	v41 =	vadd.s32 v4, v19;
	v31 =	vld.idx.msk [tilespmem:v29+s13+$0x0], $0xffff;
	[tilespmem:s29+$0xFFFFFF90] =	vst v57  }
0x129: {  	s1 =	simm.s32 $0x58;
	v25 =	vadd.s32 v8, v25;
	[tilespmem:s26+$0x50] =	vst v26;
	v63 =	vld.idx.msk [tilespmem:v28+s13+$0x0], $0xffff  }
0x12a: {  	v40 =	vadd.s32 v4, v17;
	v26 =	vmov s1;
	v28 =	vld.idx.msk [tilespmem:v61+s13+$0x0], $0xffff;
	[tilespmem:s28+$0xFFFFFFE0] =	vst v30  }
0x12b: {  	[tilespmem:s29+$0x10] =	vst v36;
	v36 =	vadd.s32 v7, v20;
	v29 =	vld.idx.msk [tilespmem:v24+s13+$0x0], $0xffff;
	v24 =	vshrl.u32 v26, $0x3  }
0x12c: {  	v34 =	vadd.s32 v7, v18;
	[tilespmem:s26+$0xA0] =	vst v62;
	v32 =	vld.idx.msk [tilespmem:v60+s13+$0x0], $0xffff;
	v24 =	vshll.u32 v24, v1  }
0x12d: {  	v35 =	vadd.s32 v4, v22;
	v33 =	vld.idx.msk [tilespmem:v41+s13+$0x0], $0xffff;
	[tilespmem:s28+$0xE0] =	vst v31;
	v24 =	vbroadcast v24, $0x0  }
0x12e: {  	[tilespmem:s26+$0xFFFFFF50] =	vst v37;
	v26 =	vadd.s32 v5, v17;
	v30 =	vld.idx.msk [tilespmem:v25+s13+$0x0], $0xffff  }
0x12f: {  	s30 =	sadd.s32 $0x1, s25;
	s31 =	simm.s32 $0x8;
	s0 =	simm.s32 $0x60;
	v31 =	vld.idx.msk [tilespmem:v40+s13+$0x0], $0xffff;
	v25 =	vadd.s32 v5, v21;
	[tilespmem:s29+$0xFFFFFFA0] =	vst v63;
	v37 =	vadd.s32 v0, v24  }
.LBB2_8:
0x130: {  	s1 =	sadd.s32 $0x8, s0;
	s31 =	sadd.s32 $0x4, s31;
	v36 =	vld.idx.msk [tilespmem:v36+s13+$0x0], $0xffff;
	[tilespmem:s28+$0x70] =	vst v27  }
0x131: {  	v27 =	vmov s1;
	s1 =	sadd.s32 $0x10, s0;
	p1 =	slt.u32 s31, $0x78;
	[tilespmem:s29+$0x20] =	vst v32;
	v32 =	vld.idx.msk [tilespmem:v34+s13+$0x0], $0xffff;
	v34 =	vadd.s32 v5, v19  }
0x132: {  	v39 =	vadd.s32 v4, v23;
	v27 =	vshrl.u32 v27, $0x3;
	v38 =	vmov s1;
	v35 =	vld.idx.msk [tilespmem:v35+s13+$0x0], $0xffff;
	[tilespmem:s28+$0xFFFFFFF0] =	vst v29  }
0x133: {  	v27 =	vshll.u32 v27, v1;
	v29 =	vshrl.u32 v38, $0x3;
	v38 =	vadd.s32 v8, v20;
	[tilespmem:s28+$0xF0] =	vst v30;
	v20 =	vmovc v23;
	s28 =	smov.u32 s26;
	s26 =	smov.u32 s29  }
0x134: {  	v30 =	vbroadcast v27, $0x0;
	v23 =	vshll.u32 v29, v1;
	v27 =	vadd.s32 v5, v22;
	v29 =	vld.idx.msk [tilespmem:v37+s13+$0x0], $0xffff;
	[tilespmem:s28+$0xFFFFFFB0] =	vst v31  }
0x135: {  	v40 =	vadd.s32 v8, v18;
	v18 =	vmovc v22;
	v31 =	vmov s0;
	v37 =	vld.idx.msk [tilespmem:v26+s13+$0x0], $0xffff;
	[tilespmem:s28+$0xB0] =	vst v33;
	v22 =	vbroadcast v23, $0x0;
	v26 =	vmovc v25  }
0x136: {  	v23 =	vshrl.u32 v31, $0x3;
	v31 =	vadd.s32 v0, v30;
	v25 =	vadd.s32 v5, v30;
	[tilespmem:s29+$0xFFFFFF20] =	vst v28;
	v28 =	vld.idx.msk [tilespmem:v34+s13+$0x0], $0xffff  }
0x137: {  	v23 =	vshll.u32 v23, v1;
	v33 =	vadd.s32 v0, v22;
	v34 =	vld.idx.msk [tilespmem:v39+s13+$0x0], $0xffff;
	[tilespmem:s28+$0xFFFFFF60] =	vst v36  }
0x138: {  	v23 =	vbroadcast v23, $0x0;
	v36 =	vadd.s32 v6, v17;
	[tilespmem:s29+$0x30] =	vst v35;
	v35 =	vld.idx.msk [tilespmem:v38+s13+$0x0], $0xffff  }
0x139: {  	v38 =	vld.idx.msk [tilespmem:v27+s13+$0x0], $0xffff;
	[tilespmem:s28+$0x60] =	vst v32;
	v32 =	vadd.s32 v6, v19  }
0x13a: {  	v41 =	vadd.s32 v5, v20;
	v39 =	vadd.s32 v0, v23;
	v27 =	vld.idx.msk [tilespmem:v40+s13+$0x0], $0xffff  }
0x13b: {  	v31 =	vld.idx.msk [tilespmem:v31+s13+$0x0], $0xffff;
	[tilespmem:s28+$0xFFFFFFC0] =	vst v37  }
0x13c: {  	v37 =	vadd.s32 v6, v18;
	v33 =	vld.idx.msk [tilespmem:v33+s13+$0x0], $0xffff;
	[tilespmem:s28+$0xC0] =	vst v28  }
0x13d: {  	v28 =	vadd.s32 v2, v30;
	[tilespmem:s29+$0xFFFFFF30] =	vst v34;
	v34 =	vadd.s32 v2, v24;
	v36 =	vld.idx.msk [tilespmem:v36+s13+$0x0], $0xffff  }
0x13e: {  	[tilespmem:s28+$0xFFFFFF70] =	vst v35;
	v32 =	vld.idx.msk [tilespmem:v32+s13+$0x0], $0xffff  }
0x13f: {  	v35 =	vld.idx.msk [tilespmem:v41+s13+$0x0], $0xffff;
	[tilespmem:s29+$0x40] =	vst v38;
	v38 =	vadd.s32 v7, v17  }
0x140: {  	v40 =	vadd.s32 v2, v22;
	s29 =	sadd.s32 $0x200, s29;
	v39 =	vld.idx.msk [tilespmem:v39+s13+$0x0], $0xffff;
	[tilespmem:s26+$0x80] =	vst v29  }
0x141: {  	v29 =	vadd.s32 v2, v23;
	[tilespmem:s29+$0xFFFFFF80] =	vst v31;
	v31 =	vld.idx.msk [tilespmem:v37+s13+$0x0], $0xffff;
	v37 =	vadd.s32 v7, v19  }
0x142: {  	[tilespmem:s29+$0x0] =	vst v33;
	v33 =	vld.idx.msk [tilespmem:v34+s13+$0x0], $0xffff  }
0x143: {  	v34 =	vadd.s32 v6, v20;
	v28 =	vld.idx.msk [tilespmem:v28+s13+$0x0], $0xffff;
	[tilespmem:s28+$0xFFFFFFD0] =	vst v36  }
0x144: {  	v36 =	vadd.s32 v3, v24;
	v38 =	vld.idx.msk [tilespmem:v38+s13+$0x0], $0xffff;
	[tilespmem:s28+$0xD0] =	vst v32  }
0x145: {  	v32 =	vadd.s32 v3, v30;
	v40 =	vld.idx.msk [tilespmem:v40+s13+$0x0], $0xffff;
	[tilespmem:s26+$0xFFFFFF40] =	vst v35  }
0x146: {  	v35 =	vadd.s32 v8, v17;
	v17 =	vmov v21;
	v21 =	vmov v30;
	[tilespmem:s29+$0xFFFFFF00] =	vst v39;
	v37 =	vld.idx.msk [tilespmem:v37+s13+$0x0], $0xffff  }
0x147: {  	v39 =	vadd.s32 v3, v22;
	v30 =	vld.idx.msk [tilespmem:v29+s13+$0x0], $0xffff;
	[tilespmem:s26+$0x50] =	vst v31  }
0x148: {  	v31 =	vld.idx.msk [tilespmem:v34+s13+$0x0], $0xffff;
	[tilespmem:s26+$0x90] =	vst v33;
	v33 =	vadd.s32 v8, v19;
	v19 =	vmov v24  }
0x149: {  	v24 =	vadd.s32 v3, v23;
	[tilespmem:s29+$0xFFFFFF90] =	vst v28;
	v41 =	vld.idx.msk [tilespmem:v36+s13+$0x0], $0xffff  }
0x14a: {  	s1 =	sadd.s32 $0x18, s0;
	v43 =	vadd.s32 v4, v17;
	v42 =	vld.idx.msk [tilespmem:v32+s13+$0x0], $0xffff;
	[tilespmem:s28+$0xFFFFFFE0] =	vst v38  }
0x14b: {  	v28 =	vmov s1;
	v38 =	vadd.s32 v4, v19;
	[tilespmem:s29+$0x10] =	vst v40;
	v29 =	vld.idx.msk [tilespmem:v35+s13+$0x0], $0xffff  }
.Ltmp5:
0x14c: {  	v36 =	vadd.s32 v7, v20;
	v28 =	vshrl.u32 v28, $0x3;
	v32 =	vld.idx.msk [tilespmem:v39+s13+$0x0], $0xffff;
	[tilespmem:s28+$0xE0] =	vst v37;
	(pc) =	sbr.rel @p1 .LBB2_8-.Ltmp5, $4  }
0x14d: {  	v34 =	vadd.s32 v7, v18;
	v37 =	vshll.u32 v28, v1;
	[tilespmem:s29+$0xFFFFFF10] =	vst v30;
	v30 =	vld.idx.msk [tilespmem:v33+s13+$0x0], $0xffff  }
0x14e: {  	v35 =	vadd.s32 v4, v22;
	v28 =	vld.idx.msk [tilespmem:v24+s13+$0x0], $0xffff;
	v24 =	vbroadcast v37, $0x0;
	[tilespmem:s26+$0xFFFFFF50] =	vst v31  }
0x14f: {  	v31 =	vld.idx.msk [tilespmem:v43+s13+$0x0], $0xffff;
	[tilespmem:s26+$0xA0] =	vst v41  }
0x150: {  	s0 =	sadd.s32 $0x20, s0;
	[tilespmem:s29+$0xFFFFFFA0] =	vst v42;
	v37 =	vadd.s32 v0, v24;
	v33 =	vld.idx.msk [tilespmem:v38+s13+$0x0], $0xffff  }
0x151: {  	_ =	sdelay $0x3  }
0x152: {  	v37 =	vld.idx.msk [tilespmem:v37+s13+$0x0], $0xffff  }
0x153: {  	v38 =	vadd.s32 v2, v24;
	_ =	sdelay $0x3  }
0x154: {  	[tilespmem:s29+$0x80] =	vst v37  }
0x155: {  	v37 =	vld.idx.msk [tilespmem:v38+s13+$0x0], $0xffff  }
0x156: {  	[tilespmem:s28+$0x70] =	vst v27;
	v59 =	vadd.s32 v3, v24  }
0x157: {  	[tilespmem:s29+$0x20] =	vst v32  }
0x158: {  	[tilespmem:s28+$0xFFFFFFF0] =	vst v29  }
0x159: {  	v60 =	vld.idx.msk [tilespmem:v36+s13+$0x0], $0xffff;
	v61 =	vadd.s32 v4, v23;
	[tilespmem:s28+$0xF0] =	vst v30  }
0x15a: {  	v63 =	vadd.s32 v4, v21;
	v34 =	vld.idx.msk [tilespmem:v34+s13+$0x0], $0xffff;
	[tilespmem:s29+$0x90] =	vst v37  }
0x15b: {  	v62 =	vadd.s32 v5, v19;
	[tilespmem:s29+$0xFFFFFF20] =	vst v28;
	v27 =	vld.idx.msk [tilespmem:v59+s13+$0x0], $0xffff  }
0x15c: {  	v36 =	vadd.s32 v4, v24;
	v35 =	vld.idx.msk [tilespmem:v35+s13+$0x0], $0xffff;
	[tilespmem:s26+$0xFFFFFFB0] =	vst v31  }
0x15d: {  	v20 =	vadd.s32 v8, v20;
	[tilespmem:s26+$0xB0] =	vst v33;
	v26 =	vld.idx.msk [tilespmem:v26+s13+$0x0], $0xffff  }
0x15e: {  	v18 =	vadd.s32 v8, v18;
	v32 =	vld.idx.msk [tilespmem:v61+s13+$0x0], $0xffff;
	[tilespmem:s26+$0xFFFFFF60] =	vst v60  }
0x15f: {  	v39 =	vadd.s32 v5, v23;
	v31 =	vld.idx.msk [tilespmem:v63+s13+$0x0], $0xffff;
	[tilespmem:s26+$0x60] =	vst v34  }
0x160: {  	v38 =	vld.idx.msk [tilespmem:v62+s13+$0x0], $0xffff;
	[tilespmem:s29+$0xA0] =	vst v27  }
0x161: {  	[tilespmem:s29+$0x30] =	vst v35;
	v37 =	vadd.s32 v5, v22;
	v27 =	vld.idx.msk [tilespmem:v36+s13+$0x0], $0xffff  }
0x162: {  	v41 =	vadd.s32 v5, v24;
	v20 =	vld.idx.msk [tilespmem:v20+s13+$0x0], $0xffff;
	[tilespmem:s26+$0xFFFFFFC0] =	vst v26  }
0x163: {  	v40 =	vadd.s32 v6, v17;
	v18 =	vld.idx.msk [tilespmem:v18+s13+$0x0], $0xffff;
	[tilespmem:s29+$0xFFFFFF30] =	vst v32  }
0x164: {  	v42 =	vadd.s32 v6, v19;
	[tilespmem:s29+$0xFFFFFFB0] =	vst v31;
	v44 =	vld.idx.msk [tilespmem:v39+s13+$0x0], $0xffff  }
0x165: {  	v46 =	vadd.s32 v6, v23;
	[tilespmem:s26+$0xC0] =	vst v38;
	v25 =	vld.idx.msk [tilespmem:v25+s13+$0x0], $0xffff  }
0x166: {  	v49 =	vadd.s32 v6, v21;
	v28 =	vld.idx.msk [tilespmem:v37+s13+$0x0], $0xffff;
	[tilespmem:s29+$0xB0] =	vst v27  }
0x167: {  	v43 =	vadd.s32 v6, v22;
	[tilespmem:s26+$0xFFFFFF70] =	vst v20;
	v48 =	vld.idx.msk [tilespmem:v41+s13+$0x0], $0xffff  }
0x168: {  	v51 =	vadd.s32 v6, v24;
	v45 =	vld.idx.msk [tilespmem:v40+s13+$0x0], $0xffff;
	[tilespmem:s26+$0x70] =	vst v18  }
0x169: {  	v47 =	vadd.s32 v7, v17;
	v50 =	vld.idx.msk [tilespmem:v42+s13+$0x0], $0xffff;
	[tilespmem:s29+$0xFFFFFF40] =	vst v44  }
0x16a: {  	v52 =	vadd.s32 v7, v19;
	[tilespmem:s29+$0xFFFFFFC0] =	vst v25;
	v29 =	vld.idx.msk [tilespmem:v46+s13+$0x0], $0xffff  }
0x16b: {  	v53 =	vadd.s32 v7, v23;
	v55 =	vld.idx.msk [tilespmem:v49+s13+$0x0], $0xffff;
	[tilespmem:s29+$0x40] =	vst v28  }
0x16c: {  	v57 =	vadd.s32 v7, v21;
	v32 =	vld.idx.msk [tilespmem:v43+s13+$0x0], $0xffff;
	[tilespmem:s29+$0xC0] =	vst v48  }
0x16d: {  	v54 =	vadd.s32 v7, v22;
	[tilespmem:s26+$0xFFFFFFD0] =	vst v45;
	v56 =	vld.idx.msk [tilespmem:v51+s13+$0x0], $0xffff  }
0x16e: {  	v59 =	vadd.s32 v7, v24;
	v30 =	vld.idx.msk [tilespmem:v47+s13+$0x0], $0xffff;
	[tilespmem:s26+$0xD0] =	vst v50  }
0x16f: {  	v17 =	vadd.s32 v8, v17;
	v58 =	vld.idx.msk [tilespmem:v52+s13+$0x0], $0xffff;
	[tilespmem:s29+$0xFFFFFF50] =	vst v29  }
0x170: {  	v19 =	vadd.s32 v8, v19;
	[tilespmem:s29+$0xFFFFFFD0] =	vst v55;
	v29 =	vld.idx.msk [tilespmem:v53+s13+$0x0], $0xffff  }
0x171: {  	v60 =	vadd.s32 v8, v23;
	v62 =	vld.idx.msk [tilespmem:v57+s13+$0x0], $0xffff;
	[tilespmem:s29+$0x50] =	vst v32  }
0x172: {  	v63 =	vadd.s32 v8, v21;
	v25 =	vld.idx.msk [tilespmem:v54+s13+$0x0], $0xffff;
	[tilespmem:s29+$0xD0] =	vst v56  }
0x173: {  	v61 =	vadd.s32 v8, v22;
	[tilespmem:s26+$0xFFFFFFE0] =	vst v30;
	v26 =	vld.idx.msk [tilespmem:v59+s13+$0x0], $0xffff  }
0x174: {  	v18 =	vadd.s32 v8, v24;
	v17 =	vld.idx.msk [tilespmem:v17+s13+$0x0], $0xffff;
	[tilespmem:s26+$0xE0] =	vst v58  }
0x175: {  	v19 =	vld.idx.msk [tilespmem:v19+s13+$0x0], $0xffff;
	[tilespmem:s29+$0xFFFFFF60] =	vst v29  }
0x176: {  	[tilespmem:s29+$0xFFFFFFE0] =	vst v62;
	v23 =	vld.idx.msk [tilespmem:v60+s13+$0x0], $0xffff  }
0x177: {  	v21 =	vld.idx.msk [tilespmem:v63+s13+$0x0], $0xffff;
	[tilespmem:s29+$0x60] =	vst v25  }
0x178: {  	v20 =	vld.idx.msk [tilespmem:v61+s13+$0x0], $0xffff;
	[tilespmem:s29+$0xE0] =	vst v26  }
0x179: {  	[tilespmem:s26+$0xFFFFFFF0] =	vst v17;
	v17 =	vld.idx.msk [tilespmem:v18+s13+$0x0], $0xffff  }
0x17a: {  	[tilespmem:s26+$0xF0] =	vst v19  }
0x17b: {  	[tilespmem:s29+$0xFFFFFF70] =	vst v23  }
0x17c: {  	[tilespmem:s29+$0xFFFFFFF0] =	vst v21  }
0x17d: {  	[tilespmem:s29+$0x70] =	vst v20  }
0x17e: {  	[tilespmem:s29+$0xF0] =	vst v17  }
0x17f: {  	v17 =	vld.idx.msk [tilespmem:v9+s13+$0x0], $0xffff;
	_ =	sdelay $0x4  }
0x180: {  	[tilespmem:$0x15100] =	vst v17  }
0x181: {  	v17 =	vld.idx.msk [tilespmem:v10+s13+$0x0], $0xffff;
	_ =	sdelay $0x4  }
0x182: {  	[tilespmem:$0x15110] =	vst v17  }
0x183: {  	v17 =	vld.idx.msk [tilespmem:v11+s13+$0x0], $0xffff;
	_ =	sdelay $0x4  }
0x184: {  	[tilespmem:$0x15120] =	vst v17  }
0x185: {  	v17 =	vld.idx.msk [tilespmem:v12+s13+$0x0], $0xffff;
	_ =	sdelay $0x4  }
0x186: {  	[tilespmem:$0x15130] =	vst v17  }
0x187: {  	v17 =	vld.idx.msk [tilespmem:v13+s13+$0x0], $0xffff;
	_ =	sdelay $0x4  }
0x188: {  	[tilespmem:$0x15140] =	vst v17  }
0x189: {  	v17 =	vld.idx.msk [tilespmem:v14+s13+$0x0], $0xffff;
	_ =	sdelay $0x4  }
0x18a: {  	[tilespmem:$0x15150] =	vst v17  }
0x18b: {  	v17 =	vld.idx.msk [tilespmem:v15+s13+$0x0], $0xffff;
	_ =	sdelay $0x4  }
0x18c: {  	s0 =	sshrl.u32 s30, $0x3;
	[tilespmem:$0x15160] =	vst v17  }
0x18d: {  	s1 =	sshll.u32 s30, $0x4;
	s0 =	smul.u32 $0x3E8000, s0;
	v17 =	vld.idx.msk [tilespmem:v16+s13+$0x0], $0xffff  }
0x18e: {  	s1 =	sand.u32 $0x70, s1  }
0x18f: {  	s0 =	sor.u32 s1, s0  }
0x190: {  	s0 =	sor.u32 s6, s0  }
0x191: {  	s0 =	sshrl.u32 s0, $0x3  }
0x192: {  	s31 =	simm.s32 $0x11300;
	s0 =	sadd.s32 s2, s0;
	s26 =	simm.s32 $0x200;
	[tilespmem:$0x15170] =	vst v17  }
0x193: {  	[hbm4b:s0+s11] =	stream.strided.scatter [tilespmem:s31], [sflag:$0x5], $0x80, s8, s11, $0x38;
	[tilespmem:$0x19000] =	vst v63  }
.LBB2_10:
0x194: {  	p1 =	sne.s32 s26, $0xF800  }
.Ltmp6:
0x195: {  	_ = 	snop;
	(pc) =	sbr.rel @p1 .LBB2_10-.Ltmp6, $4  }
0x196: {  	_ = 	snop  }
0x197: {  	s1 =	sshra.s32 s26, $0x2;
	s26 =	sadd.s32 $0x200, s26  }
0x198: {  	s0 =	sadd.s32 $0x1000, s0;
	s1 =	sadd.s32 $0x11300, s1  }
0x199: {  	[hbm4b:s0+s11] =	stream.strided.scatter [tilespmem:s1], [sflag:$0x5], $0x80, s8, s11, $0x38;
	[tilespmem:$0x19000] =	vst v63  }
0x19a: {  	p1 =	slt.u32 s23, $0x84  }
.Ltmp7:
0x19b: {  	_ = 	snop;
	(pc) =	sbr.rel @!p1 .LBB2_12-.Ltmp7, $1  }
0x19c: {  	_ =	sdelay $0x3  }
0x19d: {  	s0 =	sadd.s32 $0x100, s24  }
0x19e: {  	s0 =	sand.u32 $0x1FFC0, s0  }
0x19f: {  	s0 =	sshrl.u32 s0, $0x2  }
0x1a0: {  	[tilespmem:s13], [sflag:$0x2] =	stream.indirect.gather [hbm4b:s4+s11], $0x3E8, s0, s11, $0xb8;
	[tilespmem:$0x19000] =	vst v63  }
.Ltmp8:
0x1a1: {  	_ = 	snop;
	(pc) =	sbr.rel @!p0 .LBB2_14-.Ltmp8, $4  }
.Ltmp9:
0x1a2: {  	_ = 	snop;
	(pc) =	sbr.rel @p0 .LBB2_15-.Ltmp9, $4  }
0x1a3: {  	_ =	swait.ge [sflag:s21], $0x3E80  }
0x1a4: {  	[sflag:s21] =	ssyncset.done $0x0  }
0x1a5: {  	s25 =	sadd.s32 $0x2, s25;
	[sflag:s21] =	ssyncadd.s32 $0xFFFFC180  }
0x1a6: {  	_ = 	snop  }
.LBB2_12:
0x1a7: {  	_ =	swait.ge [sflag:s21], $0x3E80  }
0x1a8: {  	[sflag:s21] =	ssyncset.done $0x0  }
0x1a9: {  	s25 =	sadd.s32 $0x2, s25;
	[sflag:s21] =	ssyncadd.s32 $0xFFFFC180  }
.LBB2_14:
0x1aa: {  	_ =	swait.ge [sflag:s18], $0x3E80  }
0x1ab: {  	[sflag:s18] =	ssyncset.done $0x0  }
0x1ac: {  	[sflag:s18] =	ssyncadd.s32 $0xFFFFC180  }
.LBB2_15:
0x1ad: {  	s0 =	simm.s32 $0x10  }
0x1ae: {  	v17 =	vmov s0  }
0x1af: {  	s1 =	simm.s32 $0x0;
	v17 =	vshrl.u32 v17, $0x3  }
0x1b0: {  	v18 =	vmov s1;
	v17 =	vshll.u32 v17, v1  }
0x1b1: {  	v23 =	vbroadcast v17, $0x0;
	v17 =	vshrl.u32 v18, $0x3  }
0x1b2: {  	s26 =	simm.s32 $0x8;
	v17 =	vshll.u32 v17, v1  }
0x1b3: {  	v18 =	vmov s26;
	v19 =	vadd.s32 v0, v23;
	v21 =	vbroadcast v17, $0x0  }
0x1b4: {  	v17 =	vshrl.u32 v18, $0x3  }
0x1b5: {  	v17 =	vshll.u32 v17, v1;
	v18 =	vadd.s32 v0, v21  }
0x1b6: {  	v24 =	vbroadcast v17, $0x0;
	_ =	sdelay $0x1  }
0x1b7: {  	v17 =	vadd.s32 v0, v24;
	v19 =	vld.idx.msk [tilespmem:v19+s15+$0x0], $0xffff  }
0x1b8: {  	v20 =	vadd.s32 v2, v23  }
0x1b9: {  	v18 =	vld.idx.msk [tilespmem:v18+s15+$0x0], $0xffff  }
0x1ba: {  	v22 =	vadd.s32 v2, v21  }
0x1bb: {  	s28 =	simm.s32 $0x15280  }
0x1bc: {  	s31 =	simm.s32 $0x18;
	v17 =	vld.idx.msk [tilespmem:v17+s15+$0x0], $0xffff;
	[tilespmem:s28+$0x0] =	vst v19  }
0x1bd: {  	v25 =	vmov s31;
	v19 =	vadd.s32 v2, v24;
	v20 =	vld.idx.msk [tilespmem:v20+s15+$0x0], $0xffff  }
0x1be: {  	v25 =	vshrl.u32 v25, $0x3;
	[tilespmem:s28+$0xFFFFFF00] =	vst v18;
	v18 =	vadd.s32 v3, v23  }
0x1bf: {  	v25 =	vshll.u32 v25, v1;
	v22 =	vld.idx.msk [tilespmem:v22+s15+$0x0], $0xffff  }
0x1c0: {  	v25 =	vbroadcast v25, $0x0;
	v26 =	vadd.s32 v3, v21  }
0x1c1: {  	s1 =	simm.s32 $0x28;
	[tilespmem:s28+$0xFFFFFF80] =	vst v17  }
0x1c2: {  	s26 =	simm.s32 $0x30;
	v28 =	vadd.s32 v4, v23;
	v30 =	vadd.s32 v0, v25;
	v17 =	vmov s1;
	v19 =	vld.idx.msk [tilespmem:v19+s15+$0x0], $0xffff;
	[tilespmem:s28+$0x10] =	vst v20  }
0x1c3: {  	v27 =	vadd.s32 v3, v24;
	s1 =	simm.s32 $0x20;
	v17 =	vshrl.u32 v17, $0x3;
	v29 =	vld.idx.msk [tilespmem:v18+s15+$0x0], $0xffff;
	v18 =	vmov s26  }
0x1c4: {  	v17 =	vshll.u32 v17, v1;
	v20 =	vmov s1;
	[tilespmem:s28+$0xFFFFFF10] =	vst v22;
	v18 =	vshrl.u32 v18, $0x3  }
0x1c5: {  	v17 =	vbroadcast v17, $0x0;
	v20 =	vshrl.u32 v20, $0x3;
	v22 =	vld.idx.msk [tilespmem:v26+s15+$0x0], $0xffff;
	v18 =	vshll.u32 v18, v1  }
0x1c6: {  	v20 =	vshll.u32 v20, v1;
	v26 =	vadd.s32 v4, v21;
	v18 =	vbroadcast v18, $0x0  }
0x1c7: {  	v20 =	vbroadcast v20, $0x0;
	[tilespmem:s28+$0xFFFFFF90] =	vst v19;
	v19 =	vadd.s32 v0, v17  }
0x1c8: {  	v30 =	vld.idx.msk [tilespmem:v30+s15+$0x0], $0xffff;
	[tilespmem:s28+$0x20] =	vst v29;
	v29 =	vadd.s32 v0, v18  }
0x1c9: {  	v31 =	vadd.s32 v0, v20;
	v28 =	vld.idx.msk [tilespmem:v28+s15+$0x0], $0xffff  }
0x1ca: {  	v32 =	vadd.s32 v5, v23;
	v27 =	vld.idx.msk [tilespmem:v27+s15+$0x0], $0xffff;
	[tilespmem:s28+$0xFFFFFF20] =	vst v22  }
0x1cb: {  	v22 =	vld.idx.msk [tilespmem:v26+s15+$0x0], $0xffff;
	v26 =	vadd.s32 v2, v25  }
0x1cc: {  	v33 =	vadd.s32 v5, v21;
	v19 =	vld.idx.msk [tilespmem:v19+s15+$0x0], $0xffff  }
0x1cd: {  	v34 =	vadd.s32 v2, v17;
	v29 =	vld.idx.msk [tilespmem:v29+s15+$0x0], $0xffff  }
0x1ce: {  	[tilespmem:s28+$0x30] =	vst v28;
	v28 =	vld.idx.msk [tilespmem:v31+s15+$0x0], $0xffff;
	v31 =	vadd.s32 v2, v18  }
0x1cf: {  	[tilespmem:s28+$0x80] =	vst v30;
	v30 =	vadd.s32 v2, v20;
	v32 =	vld.idx.msk [tilespmem:v32+s15+$0x0], $0xffff  }
0x1d0: {  	v35 =	vadd.s32 v6, v23;
	s26 =	simm.s32 $0x15480;
	[tilespmem:s28+$0xFFFFFF30] =	vst v22;
	v22 =	vld.idx.msk [tilespmem:v26+s15+$0x0], $0xffff  }
0x1d1: {  	v41 =	vadd.s32 v4, v24;
	[tilespmem:s26+$0xFFFFFF80] =	vst v19;
	v26 =	vld.idx.msk [tilespmem:v33+s15+$0x0], $0xffff  }
0x1d2: {  	v19 =	vadd.s32 v3, v25;
	[tilespmem:s26+$0x0] =	vst v29;
	v29 =	vld.idx.msk [tilespmem:v34+s15+$0x0], $0xffff  }
0x1d3: {  	v39 =	vadd.s32 v6, v21;
	v31 =	vld.idx.msk [tilespmem:v31+s15+$0x0], $0xffff;
	[tilespmem:s26+$0xFFFFFF00] =	vst v28  }
0x1d4: {  	v40 =	vadd.s32 v3, v17;
	[tilespmem:s28+$0x40] =	vst v32;
	v28 =	vld.idx.msk [tilespmem:v30+s15+$0x0], $0xffff  }
0x1d5: {  	[tilespmem:s28+$0xFFFFFFA0] =	vst v27;
	v30 =	vadd.s32 v3, v18;
	v32 =	vld.idx.msk [tilespmem:v35+s15+$0x0], $0xffff  }
0x1d6: {  	s31 =	simm.s32 $0x38;
	[tilespmem:s28+$0x90] =	vst v22;
	v22 =	vadd.s32 v3, v20;
	v35 =	vld.idx.msk [tilespmem:v41+s15+$0x0], $0xffff  }
0x1d7: {  	v36 =	vadd.s32 v5, v24;
	[tilespmem:s28+$0xFFFFFF40] =	vst v26;
	v26 =	vld.idx.msk [tilespmem:v19+s15+$0x0], $0xffff;
	v19 =	vmov s31  }
0x1d8: {  	v33 =	vld.idx.msk [tilespmem:v39+s15+$0x0], $0xffff;
	[tilespmem:s26+$0xFFFFFF90] =	vst v29;
	v29 =	vadd.s32 v4, v25;
	v19 =	vshrl.u32 v19, $0x3  }
0x1d9: {  	v34 =	vld.idx.msk [tilespmem:v40+s15+$0x0], $0xffff;
	[tilespmem:s26+$0x10] =	vst v31;
	v31 =	vadd.s32 v7, v21;
	v19 =	vshll.u32 v19, v1  }
0x1da: {  	s1 =	simm.s32 $0x48;
	v30 =	vld.idx.msk [tilespmem:v30+s15+$0x0], $0xffff;
	[tilespmem:s26+$0xFFFFFF10] =	vst v28;
	v28 =	vadd.s32 v7, v23;
	v19 =	vbroadcast v19, $0x0  }
0x1db: {  	v42 =	vmov s1;
	s1 =	simm.s32 $0x40;
	v27 =	vld.idx.msk [tilespmem:v22+s15+$0x0], $0xffff;
	v22 =	vadd.s32 v4, v18;
	[tilespmem:s28+$0xFFFFFFB0] =	vst v35  }
0x1dc: {  	v46 =	vadd.s32 v8, v23;
	v23 =	vmov s1;
	[tilespmem:s28+$0xA0] =	vst v26;
	v26 =	vadd.s32 v0, v19;
	v35 =	vld.idx.msk [tilespmem:v36+s15+$0x0], $0xffff  }
0x1dd: {  	v37 =	vadd.s32 v4, v20;
	v23 =	vshrl.u32 v23, $0x3;
	[tilespmem:s28+$0xFFFFFF50] =	vst v33;
	v29 =	vld.idx.msk [tilespmem:v29+s15+$0x0], $0xffff  }
0x1de: {  	v47 =	vadd.s32 v6, v24;
	[tilespmem:s28+$0x50] =	vst v32;
	v23 =	vshll.u32 v23, v1;
	v31 =	vld.idx.msk [tilespmem:v31+s15+$0x0], $0xffff  }
0x1df: {  	v43 =	vadd.s32 v5, v25;
	v23 =	vbroadcast v23, $0x0;
	[tilespmem:s26+$0x20] =	vst v30;
	v28 =	vld.idx.msk [tilespmem:v28+s15+$0x0], $0xffff  }
0x1e0: {  	v45 =	vadd.s32 v8, v21;
	s31 =	simm.s32 $0x50;
	v30 =	vshrl.u32 v42, $0x3;
	v38 =	vld.idx.msk [tilespmem:v22+s15+$0x0], $0xffff  }
0x1e1: {  	v44 =	vmov s31;
	v49 =	vadd.s32 v0, v23;
	v22 =	vshll.u32 v30, v1;
	[tilespmem:s26+$0xFFFFFF20] =	vst v27;
	v26 =	vld.idx.msk [tilespmem:v26+s15+$0x0], $0xffff  }
0x1e2: {  	v30 =	vshrl.u32 v44, $0x3;
	v21 =	vbroadcast v22, $0x0;
	v37 =	vld.idx.msk [tilespmem:v37+s15+$0x0], $0xffff;
	[tilespmem:s28+$0xFFFFFFC0] =	vst v35  }
0x1e3: {  	v22 =	vshll.u32 v30, v1;
	v30 =	vadd.s32 v5, v18;
	[tilespmem:s28+$0xB0] =	vst v29;
	v32 =	vld.idx.msk [tilespmem:v47+s15+$0x0], $0xffff  }
0x1e4: {  	v22 =	vbroadcast v22, $0x0;
	v29 =	vadd.s32 v0, v21;
	v33 =	vld.idx.msk [tilespmem:v43+s15+$0x0], $0xffff;
	[tilespmem:s28+$0xFFFFFF60] =	vst v31  }
0x1e5: {  	v52 =	vadd.s32 v2, v19;
	[tilespmem:s26+$0xFFFFFFA0] =	vst v34;
	v31 =	vld.idx.msk [tilespmem:v45+s15+$0x0], $0xffff  }
0x1e6: {  	v39 =	vadd.s32 v0, v22;
	[tilespmem:s28+$0x60] =	vst v28;
	v54 =	vld.idx.msk [tilespmem:v49+s15+$0x0], $0xffff  }
0x1e7: {  	v28 =	vadd.s32 v6, v25;
	[tilespmem:s26+$0x30] =	vst v38;
	v27 =	vld.idx.msk [tilespmem:v46+s15+$0x0], $0xffff  }
0x1e8: {  	v48 =	vadd.s32 v5, v20;
	v30 =	vld.idx.msk [tilespmem:v30+s15+$0x0], $0xffff;
	[tilespmem:s26+$0xFFFFFF30] =	vst v37  }
0x1e9: {  	v56 =	vadd.s32 v2, v23;
	[tilespmem:s26+$0x80] =	vst v26;
	v29 =	vld.idx.msk [tilespmem:v29+s15+$0x0], $0xffff  }
0x1ea: {  	v51 =	vadd.s32 v6, v18;
	[tilespmem:s28+$0xC0] =	vst v33;
	v33 =	vld.idx.msk [tilespmem:v52+s15+$0x0], $0xffff  }
0x1eb: {  	s29 =	simm.s32 $0x15680;
	v53 =	vadd.s32 v2, v21;
	v50 =	vld.idx.msk [tilespmem:v39+s15+$0x0], $0xffff;
	[tilespmem:s28+$0xFFFFFF70] =	vst v31  }
0x1ec: {  	v59 =	vadd.s32 v3, v19;
	v28 =	vld.idx.msk [tilespmem:v28+s15+$0x0], $0xffff;
	[tilespmem:s29+$0xFFFFFF00] =	vst v54  }
0x1ed: {  	v31 =	vld.idx.msk [tilespmem:v48+s15+$0x0], $0xffff;
	[tilespmem:s26+$0x40] =	vst v30;
	v30 =	vadd.s32 v7, v24  }
0x1ee: {  	v55 =	vadd.s32 v2, v22;
	[tilespmem:s28+$0xFFFFFFD0] =	vst v32;
	v34 =	vld.idx.msk [tilespmem:v56+s15+$0x0], $0xffff  }
0x1ef: {  	v58 =	vadd.s32 v6, v20;
	v26 =	vld.idx.msk [tilespmem:v51+s15+$0x0], $0xffff;
	[tilespmem:s29+$0xFFFFFF80] =	vst v29  }
0x1f0: {  	v29 =	vadd.s32 v7, v25;
	[tilespmem:s26+$0x90] =	vst v33;
	v57 =	vld.idx.msk [tilespmem:v53+s15+$0x0], $0xffff  }
0x1f1: {  	[tilespmem:s28+$0xD0] =	vst v28;
	v28 =	vadd.s32 v3, v21;
	v62 =	vld.idx.msk [tilespmem:v59+s15+$0x0], $0xffff  }
0x1f2: {  	v61 =	vadd.s32 v3, v23;
	[tilespmem:s29+$0x0] =	vst v50;
	v30 =	vld.idx.msk [tilespmem:v30+s15+$0x0], $0xffff  }
0x1f3: {  	v24 =	vadd.s32 v8, v24;
	[tilespmem:s26+$0xFFFFFF40] =	vst v31;
	v36 =	vld.idx.msk [tilespmem:v55+s15+$0x0], $0xffff  }
0x1f4: {  	v60 =	vadd.s32 v3, v22;
	v37 =	vld.idx.msk [tilespmem:v58+s15+$0x0], $0xffff;
	[tilespmem:s29+$0xFFFFFF10] =	vst v34  }
0x1f5: {  	v41 =	vadd.s32 v4, v19;
	v31 =	vld.idx.msk [tilespmem:v29+s15+$0x0], $0xffff;
	[tilespmem:s29+$0xFFFFFF90] =	vst v57  }
0x1f6: {  	s31 =	simm.s32 $0x58;
	v25 =	vadd.s32 v8, v25;
	[tilespmem:s26+$0x50] =	vst v26;
	v63 =	vld.idx.msk [tilespmem:v28+s15+$0x0], $0xffff  }
0x1f7: {  	v40 =	vadd.s32 v4, v17;
	v26 =	vmov s31;
	v28 =	vld.idx.msk [tilespmem:v61+s15+$0x0], $0xffff;
	[tilespmem:s28+$0xFFFFFFE0] =	vst v30  }
0x1f8: {  	[tilespmem:s29+$0x10] =	vst v36;
	v36 =	vadd.s32 v7, v20;
	v29 =	vld.idx.msk [tilespmem:v24+s15+$0x0], $0xffff;
	v24 =	vshrl.u32 v26, $0x3  }
0x1f9: {  	v34 =	vadd.s32 v7, v18;
	[tilespmem:s26+$0xA0] =	vst v62;
	v32 =	vld.idx.msk [tilespmem:v60+s15+$0x0], $0xffff;
	v24 =	vshll.u32 v24, v1  }
0x1fa: {  	v35 =	vadd.s32 v4, v22;
	v33 =	vld.idx.msk [tilespmem:v41+s15+$0x0], $0xffff;
	[tilespmem:s28+$0xE0] =	vst v31;
	v24 =	vbroadcast v24, $0x0  }
0x1fb: {  	[tilespmem:s26+$0xFFFFFF50] =	vst v37;
	v26 =	vadd.s32 v5, v17;
	v30 =	vld.idx.msk [tilespmem:v25+s15+$0x0], $0xffff  }
0x1fc: {  	s30 =	simm.s32 $0x8;
	s0 =	simm.s32 $0x60;
	v31 =	vld.idx.msk [tilespmem:v40+s15+$0x0], $0xffff;
	v25 =	vadd.s32 v5, v21;
	[tilespmem:s29+$0xFFFFFFA0] =	vst v63;
	v37 =	vadd.s32 v0, v24  }
.LBB2_16:
0x1fd: {  	s1 =	sadd.s32 $0x8, s0;
	s30 =	sadd.s32 $0x4, s30;
	v36 =	vld.idx.msk [tilespmem:v36+s15+$0x0], $0xffff;
	[tilespmem:s28+$0x70] =	vst v27  }
0x1fe: {  	v27 =	vmov s1;
	s1 =	sadd.s32 $0x10, s0;
	p0 =	slt.u32 s30, $0x78;
	[tilespmem:s29+$0x20] =	vst v32;
	v32 =	vld.idx.msk [tilespmem:v34+s15+$0x0], $0xffff;
	v34 =	vadd.s32 v5, v19  }
0x1ff: {  	v39 =	vadd.s32 v4, v23;
	v27 =	vshrl.u32 v27, $0x3;
	v38 =	vmov s1;
	v35 =	vld.idx.msk [tilespmem:v35+s15+$0x0], $0xffff;
	[tilespmem:s28+$0xFFFFFFF0] =	vst v29  }
0x200: {  	v27 =	vshll.u32 v27, v1;
	v29 =	vshrl.u32 v38, $0x3;
	v38 =	vadd.s32 v8, v20;
	[tilespmem:s28+$0xF0] =	vst v30;
	v20 =	vmovc v23;
	s28 =	smov.u32 s26;
	s26 =	smov.u32 s29  }
0x201: {  	v30 =	vbroadcast v27, $0x0;
	v23 =	vshll.u32 v29, v1;
	v27 =	vadd.s32 v5, v22;
	v29 =	vld.idx.msk [tilespmem:v37+s15+$0x0], $0xffff;
	[tilespmem:s28+$0xFFFFFFB0] =	vst v31  }
0x202: {  	v40 =	vadd.s32 v8, v18;
	v18 =	vmovc v22;
	v31 =	vmov s0;
	v37 =	vld.idx.msk [tilespmem:v26+s15+$0x0], $0xffff;
	[tilespmem:s28+$0xB0] =	vst v33;
	v22 =	vbroadcast v23, $0x0;
	v26 =	vmovc v25  }
0x203: {  	v23 =	vshrl.u32 v31, $0x3;
	v31 =	vadd.s32 v0, v30;
	v25 =	vadd.s32 v5, v30;
	[tilespmem:s29+$0xFFFFFF20] =	vst v28;
	v28 =	vld.idx.msk [tilespmem:v34+s15+$0x0], $0xffff  }
0x204: {  	v23 =	vshll.u32 v23, v1;
	v33 =	vadd.s32 v0, v22;
	v34 =	vld.idx.msk [tilespmem:v39+s15+$0x0], $0xffff;
	[tilespmem:s28+$0xFFFFFF60] =	vst v36  }
0x205: {  	v23 =	vbroadcast v23, $0x0;
	v36 =	vadd.s32 v6, v17;
	[tilespmem:s29+$0x30] =	vst v35;
	v35 =	vld.idx.msk [tilespmem:v38+s15+$0x0], $0xffff  }
0x206: {  	v38 =	vld.idx.msk [tilespmem:v27+s15+$0x0], $0xffff;
	[tilespmem:s28+$0x60] =	vst v32;
	v32 =	vadd.s32 v6, v19  }
0x207: {  	v41 =	vadd.s32 v5, v20;
	v39 =	vadd.s32 v0, v23;
	v27 =	vld.idx.msk [tilespmem:v40+s15+$0x0], $0xffff  }
0x208: {  	v31 =	vld.idx.msk [tilespmem:v31+s15+$0x0], $0xffff;
	[tilespmem:s28+$0xFFFFFFC0] =	vst v37  }
0x209: {  	v37 =	vadd.s32 v6, v18;
	v33 =	vld.idx.msk [tilespmem:v33+s15+$0x0], $0xffff;
	[tilespmem:s28+$0xC0] =	vst v28  }
0x20a: {  	v28 =	vadd.s32 v2, v30;
	[tilespmem:s29+$0xFFFFFF30] =	vst v34;
	v34 =	vadd.s32 v2, v24;
	v36 =	vld.idx.msk [tilespmem:v36+s15+$0x0], $0xffff  }
0x20b: {  	[tilespmem:s28+$0xFFFFFF70] =	vst v35;
	v32 =	vld.idx.msk [tilespmem:v32+s15+$0x0], $0xffff  }
0x20c: {  	v35 =	vld.idx.msk [tilespmem:v41+s15+$0x0], $0xffff;
	[tilespmem:s29+$0x40] =	vst v38;
	v38 =	vadd.s32 v7, v17  }
0x20d: {  	v40 =	vadd.s32 v2, v22;
	s29 =	sadd.s32 $0x200, s29;
	v39 =	vld.idx.msk [tilespmem:v39+s15+$0x0], $0xffff;
	[tilespmem:s26+$0x80] =	vst v29  }
0x20e: {  	v29 =	vadd.s32 v2, v23;
	[tilespmem:s29+$0xFFFFFF80] =	vst v31;
	v31 =	vld.idx.msk [tilespmem:v37+s15+$0x0], $0xffff;
	v37 =	vadd.s32 v7, v19  }
0x20f: {  	[tilespmem:s29+$0x0] =	vst v33;
	v33 =	vld.idx.msk [tilespmem:v34+s15+$0x0], $0xffff  }
0x210: {  	v34 =	vadd.s32 v6, v20;
	v28 =	vld.idx.msk [tilespmem:v28+s15+$0x0], $0xffff;
	[tilespmem:s28+$0xFFFFFFD0] =	vst v36  }
0x211: {  	v36 =	vadd.s32 v3, v24;
	v38 =	vld.idx.msk [tilespmem:v38+s15+$0x0], $0xffff;
	[tilespmem:s28+$0xD0] =	vst v32  }
0x212: {  	v32 =	vadd.s32 v3, v30;
	v40 =	vld.idx.msk [tilespmem:v40+s15+$0x0], $0xffff;
	[tilespmem:s26+$0xFFFFFF40] =	vst v35  }
0x213: {  	v35 =	vadd.s32 v8, v17;
	v17 =	vmov v21;
	v21 =	vmov v30;
	[tilespmem:s29+$0xFFFFFF00] =	vst v39;
	v37 =	vld.idx.msk [tilespmem:v37+s15+$0x0], $0xffff  }
0x214: {  	v39 =	vadd.s32 v3, v22;
	v30 =	vld.idx.msk [tilespmem:v29+s15+$0x0], $0xffff;
	[tilespmem:s26+$0x50] =	vst v31  }
0x215: {  	v31 =	vld.idx.msk [tilespmem:v34+s15+$0x0], $0xffff;
	[tilespmem:s26+$0x90] =	vst v33;
	v33 =	vadd.s32 v8, v19;
	v19 =	vmov v24  }
0x216: {  	v24 =	vadd.s32 v3, v23;
	[tilespmem:s29+$0xFFFFFF90] =	vst v28;
	v41 =	vld.idx.msk [tilespmem:v36+s15+$0x0], $0xffff  }
0x217: {  	s1 =	sadd.s32 $0x18, s0;
	v43 =	vadd.s32 v4, v17;
	v42 =	vld.idx.msk [tilespmem:v32+s15+$0x0], $0xffff;
	[tilespmem:s28+$0xFFFFFFE0] =	vst v38  }
0x218: {  	v28 =	vmov s1;
	v38 =	vadd.s32 v4, v19;
	[tilespmem:s29+$0x10] =	vst v40;
	v29 =	vld.idx.msk [tilespmem:v35+s15+$0x0], $0xffff  }
.Ltmp10:
0x219: {  	v36 =	vadd.s32 v7, v20;
	v28 =	vshrl.u32 v28, $0x3;
	v32 =	vld.idx.msk [tilespmem:v39+s15+$0x0], $0xffff;
	[tilespmem:s28+$0xE0] =	vst v37;
	(pc) =	sbr.rel @p0 .LBB2_16-.Ltmp10, $4  }
0x21a: {  	v34 =	vadd.s32 v7, v18;
	v37 =	vshll.u32 v28, v1;
	[tilespmem:s29+$0xFFFFFF10] =	vst v30;
	v30 =	vld.idx.msk [tilespmem:v33+s15+$0x0], $0xffff  }
0x21b: {  	v35 =	vadd.s32 v4, v22;
	v28 =	vld.idx.msk [tilespmem:v24+s15+$0x0], $0xffff;
	v24 =	vbroadcast v37, $0x0;
	[tilespmem:s26+$0xFFFFFF50] =	vst v31  }
0x21c: {  	v31 =	vld.idx.msk [tilespmem:v43+s15+$0x0], $0xffff;
	[tilespmem:s26+$0xA0] =	vst v41  }
0x21d: {  	s0 =	sadd.s32 $0x20, s0;
	[tilespmem:s29+$0xFFFFFFA0] =	vst v42;
	v37 =	vadd.s32 v0, v24;
	v33 =	vld.idx.msk [tilespmem:v38+s15+$0x0], $0xffff  }
0x21e: {  	_ =	sdelay $0x3  }
0x21f: {  	v37 =	vld.idx.msk [tilespmem:v37+s15+$0x0], $0xffff  }
0x220: {  	v38 =	vadd.s32 v2, v24;
	_ =	sdelay $0x3  }
0x221: {  	[tilespmem:s29+$0x80] =	vst v37  }
0x222: {  	v37 =	vld.idx.msk [tilespmem:v38+s15+$0x0], $0xffff  }
0x223: {  	[tilespmem:s28+$0x70] =	vst v27;
	v59 =	vadd.s32 v3, v24  }
0x224: {  	[tilespmem:s29+$0x20] =	vst v32  }
0x225: {  	[tilespmem:s28+$0xFFFFFFF0] =	vst v29  }
0x226: {  	v60 =	vld.idx.msk [tilespmem:v36+s15+$0x0], $0xffff;
	v61 =	vadd.s32 v4, v23;
	[tilespmem:s28+$0xF0] =	vst v30  }
0x227: {  	v63 =	vadd.s32 v4, v21;
	v34 =	vld.idx.msk [tilespmem:v34+s15+$0x0], $0xffff;
	[tilespmem:s29+$0x90] =	vst v37  }
0x228: {  	v62 =	vadd.s32 v5, v19;
	[tilespmem:s29+$0xFFFFFF20] =	vst v28;
	v27 =	vld.idx.msk [tilespmem:v59+s15+$0x0], $0xffff  }
0x229: {  	v36 =	vadd.s32 v4, v24;
	v35 =	vld.idx.msk [tilespmem:v35+s15+$0x0], $0xffff;
	[tilespmem:s26+$0xFFFFFFB0] =	vst v31  }
0x22a: {  	v20 =	vadd.s32 v8, v20;
	[tilespmem:s26+$0xB0] =	vst v33;
	v26 =	vld.idx.msk [tilespmem:v26+s15+$0x0], $0xffff  }
0x22b: {  	v18 =	vadd.s32 v8, v18;
	v32 =	vld.idx.msk [tilespmem:v61+s15+$0x0], $0xffff;
	[tilespmem:s26+$0xFFFFFF60] =	vst v60  }
0x22c: {  	v39 =	vadd.s32 v5, v23;
	v31 =	vld.idx.msk [tilespmem:v63+s15+$0x0], $0xffff;
	[tilespmem:s26+$0x60] =	vst v34  }
0x22d: {  	v38 =	vld.idx.msk [tilespmem:v62+s15+$0x0], $0xffff;
	[tilespmem:s29+$0xA0] =	vst v27  }
0x22e: {  	[tilespmem:s29+$0x30] =	vst v35;
	v37 =	vadd.s32 v5, v22;
	v27 =	vld.idx.msk [tilespmem:v36+s15+$0x0], $0xffff  }
0x22f: {  	v41 =	vadd.s32 v5, v24;
	v20 =	vld.idx.msk [tilespmem:v20+s15+$0x0], $0xffff;
	[tilespmem:s26+$0xFFFFFFC0] =	vst v26  }
0x230: {  	v40 =	vadd.s32 v6, v17;
	v18 =	vld.idx.msk [tilespmem:v18+s15+$0x0], $0xffff;
	[tilespmem:s29+$0xFFFFFF30] =	vst v32  }
0x231: {  	v42 =	vadd.s32 v6, v19;
	[tilespmem:s29+$0xFFFFFFB0] =	vst v31;
	v44 =	vld.idx.msk [tilespmem:v39+s15+$0x0], $0xffff  }
0x232: {  	v46 =	vadd.s32 v6, v23;
	[tilespmem:s26+$0xC0] =	vst v38;
	v25 =	vld.idx.msk [tilespmem:v25+s15+$0x0], $0xffff  }
0x233: {  	v49 =	vadd.s32 v6, v21;
	v28 =	vld.idx.msk [tilespmem:v37+s15+$0x0], $0xffff;
	[tilespmem:s29+$0xB0] =	vst v27  }
0x234: {  	v43 =	vadd.s32 v6, v22;
	[tilespmem:s26+$0xFFFFFF70] =	vst v20;
	v48 =	vld.idx.msk [tilespmem:v41+s15+$0x0], $0xffff  }
0x235: {  	v51 =	vadd.s32 v6, v24;
	v45 =	vld.idx.msk [tilespmem:v40+s15+$0x0], $0xffff;
	[tilespmem:s26+$0x70] =	vst v18  }
0x236: {  	v47 =	vadd.s32 v7, v17;
	v50 =	vld.idx.msk [tilespmem:v42+s15+$0x0], $0xffff;
	[tilespmem:s29+$0xFFFFFF40] =	vst v44  }
0x237: {  	v52 =	vadd.s32 v7, v19;
	[tilespmem:s29+$0xFFFFFFC0] =	vst v25;
	v29 =	vld.idx.msk [tilespmem:v46+s15+$0x0], $0xffff  }
0x238: {  	v53 =	vadd.s32 v7, v23;
	v55 =	vld.idx.msk [tilespmem:v49+s15+$0x0], $0xffff;
	[tilespmem:s29+$0x40] =	vst v28  }
0x239: {  	v57 =	vadd.s32 v7, v21;
	v32 =	vld.idx.msk [tilespmem:v43+s15+$0x0], $0xffff;
	[tilespmem:s29+$0xC0] =	vst v48  }
0x23a: {  	v54 =	vadd.s32 v7, v22;
	[tilespmem:s26+$0xFFFFFFD0] =	vst v45;
	v56 =	vld.idx.msk [tilespmem:v51+s15+$0x0], $0xffff  }
0x23b: {  	v59 =	vadd.s32 v7, v24;
	v30 =	vld.idx.msk [tilespmem:v47+s15+$0x0], $0xffff;
	[tilespmem:s26+$0xD0] =	vst v50  }
0x23c: {  	v17 =	vadd.s32 v8, v17;
	v58 =	vld.idx.msk [tilespmem:v52+s15+$0x0], $0xffff;
	[tilespmem:s29+$0xFFFFFF50] =	vst v29  }
0x23d: {  	v19 =	vadd.s32 v8, v19;
	[tilespmem:s29+$0xFFFFFFD0] =	vst v55;
	v29 =	vld.idx.msk [tilespmem:v53+s15+$0x0], $0xffff  }
0x23e: {  	v60 =	vadd.s32 v8, v23;
	v62 =	vld.idx.msk [tilespmem:v57+s15+$0x0], $0xffff;
	[tilespmem:s29+$0x50] =	vst v32  }
0x23f: {  	v63 =	vadd.s32 v8, v21;
	v25 =	vld.idx.msk [tilespmem:v54+s15+$0x0], $0xffff;
	[tilespmem:s29+$0xD0] =	vst v56  }
0x240: {  	v61 =	vadd.s32 v8, v22;
	[tilespmem:s26+$0xFFFFFFE0] =	vst v30;
	v26 =	vld.idx.msk [tilespmem:v59+s15+$0x0], $0xffff  }
0x241: {  	v18 =	vadd.s32 v8, v24;
	v17 =	vld.idx.msk [tilespmem:v17+s15+$0x0], $0xffff;
	[tilespmem:s26+$0xE0] =	vst v58  }
0x242: {  	v19 =	vld.idx.msk [tilespmem:v19+s15+$0x0], $0xffff;
	[tilespmem:s29+$0xFFFFFF60] =	vst v29  }
0x243: {  	[tilespmem:s29+$0xFFFFFFE0] =	vst v62;
	v23 =	vld.idx.msk [tilespmem:v60+s15+$0x0], $0xffff  }
0x244: {  	v21 =	vld.idx.msk [tilespmem:v63+s15+$0x0], $0xffff;
	[tilespmem:s29+$0x60] =	vst v25  }
0x245: {  	v20 =	vld.idx.msk [tilespmem:v61+s15+$0x0], $0xffff;
	[tilespmem:s29+$0xE0] =	vst v26  }
0x246: {  	[tilespmem:s26+$0xFFFFFFF0] =	vst v17;
	v17 =	vld.idx.msk [tilespmem:v18+s15+$0x0], $0xffff  }
0x247: {  	[tilespmem:s26+$0xF0] =	vst v19  }
0x248: {  	[tilespmem:s29+$0xFFFFFF70] =	vst v23  }
0x249: {  	[tilespmem:s29+$0xFFFFFFF0] =	vst v21  }
0x24a: {  	[tilespmem:s29+$0x70] =	vst v20  }
0x24b: {  	[tilespmem:s29+$0xF0] =	vst v17  }
0x24c: {  	v17 =	vld.idx.msk [tilespmem:v9+s15+$0x0], $0xffff;
	_ =	sdelay $0x4  }
0x24d: {  	[tilespmem:$0x18F80] =	vst v17  }
0x24e: {  	v17 =	vld.idx.msk [tilespmem:v10+s15+$0x0], $0xffff;
	_ =	sdelay $0x4  }
0x24f: {  	[tilespmem:$0x18F90] =	vst v17  }
0x250: {  	v17 =	vld.idx.msk [tilespmem:v11+s15+$0x0], $0xffff;
	_ =	sdelay $0x4  }
0x251: {  	[tilespmem:$0x18FA0] =	vst v17  }
0x252: {  	v17 =	vld.idx.msk [tilespmem:v12+s15+$0x0], $0xffff;
	_ =	sdelay $0x4  }
0x253: {  	[tilespmem:$0x18FB0] =	vst v17  }
0x254: {  	v17 =	vld.idx.msk [tilespmem:v13+s15+$0x0], $0xffff;
	_ =	sdelay $0x4  }
0x255: {  	[tilespmem:$0x18FC0] =	vst v17  }
0x256: {  	v17 =	vld.idx.msk [tilespmem:v14+s15+$0x0], $0xffff;
	_ =	sdelay $0x4  }
0x257: {  	[tilespmem:$0x18FD0] =	vst v17  }
0x258: {  	v17 =	vld.idx.msk [tilespmem:v15+s15+$0x0], $0xffff;
	_ =	sdelay $0x4  }
0x259: {  	s0 =	sshrl.u32 s25, $0x3;
	[tilespmem:$0x18FE0] =	vst v17  }
0x25a: {  	s1 =	sshll.u32 s25, $0x4;
	s0 =	smul.u32 $0x3E8000, s0;
	v17 =	vld.idx.msk [tilespmem:v16+s15+$0x0], $0xffff  }
0x25b: {  	s1 =	sand.u32 $0x70, s1  }
0x25c: {  	s0 =	sor.u32 s1, s0  }
0x25d: {  	s0 =	sor.u32 s6, s0  }
0x25e: {  	s0 =	sshrl.u32 s0, $0x3  }
0x25f: {  	s31 =	simm.s32 $0x15180;
	s25 =	simm.s32 $0x200;
	s0 =	sadd.s32 s2, s0;
	[tilespmem:$0x18FF0] =	vst v17  }
0x260: {  	[hbm4b:s0+s11] =	stream.strided.scatter [tilespmem:s31], [sflag:$0x6], $0x80, s8, s11, $0x38;
	[tilespmem:$0x19000] =	vst v63  }
.LBB2_18:
0x261: {  	p0 =	sne.s32 s25, $0xF800  }
.Ltmp11:
0x262: {  	_ = 	snop;
	(pc) =	sbr.rel @p0 .LBB2_18-.Ltmp11, $4  }
0x263: {  	_ = 	snop  }
0x264: {  	s1 =	sshra.s32 s25, $0x2;
	s25 =	sadd.s32 $0x200, s25  }
0x265: {  	s0 =	sadd.s32 $0x1000, s0;
	s1 =	sadd.s32 $0x15180, s1  }
0x266: {  	[hbm4b:s0+s11] =	stream.strided.scatter [tilespmem:s1], [sflag:$0x6], $0x80, s8, s11, $0x38;
	[tilespmem:$0x19000] =	vst v63  }
0x267: {  	p0 =	sgt.u32 s23, $0x83  }
0x268: {  	s0 =	sadd.s32 @!p0 $0x140, s24  }
0x269: {  	s23 =	sadd.s32 $0x1, s23;
	s0 =	sand.u32 @!p0 $0x1FFC0, s0  }
0x26a: {  	s1 =	simm.s32 @!p0 $0x10;
	s24 =	simm.s32 @!p0 $0x9600;
	s0 =	sshrl.u32 @!p0 s0, $0x2  }
0x26b: {  	[tilespmem:s24], [sflag:$0x3] =	stream.indirect.gather @!p0 [hbm4b:s4+s1], $0x3E8, s0, s1, $0xb8;
	[tilespmem:$0x19000] =	vst v63  }
0x26c: {  	p0 =	sne.s32 s23, $0x86  }
.Ltmp12:
0x26d: {  	_ = 	snop;
	(pc) =	sbr.rel @p0 .LBB2_2-.Ltmp12, $4  }
.Ltmp13:
0x26e: {  	_ = 	snop;
	(pc) =	sbr.rel @!p0 .LBB2_20-.Ltmp13, $4  }
0x26f: {  	_ = 	snop  }
0x270: {  	_ = 	snop  }
0x271: {  	_ = 	snop  }
0x272: {  	_ = 	snop  }
.LBB2_21:
0x273: {  	_ =	sfence.sel $0x180000  }
0x274: {  	[bflag:$0x0] =	sbarrier.arrive $0xFFFF  }
0x275: {  	_ =	strace $0x90000047  }
0x276: {  	s0 =	stileid.u32;
	[bflag:$0x2] =	sbarrier.arrive $0xFFFF  }
0x277: {  	p0 =	sne.s32 s0, $0x0;
	s0 =	rddreg [dreg:$0x2]  }
0x278: {  	s0 =	sadd.s32 @!p0 $0x100000, s0  }
0x279: {  	[sflag:s0] =	ssyncadd.tile.s32 @!p0 $0x1;
	_ =	shalt  }
.Lfunc_end2:
_tile_overlayer_lowered:
.L_overlay_start_2:
0x27a: {  	(tag) =	ssettag $0x2  }
0x27b: {  	s0 =	rddreg [dreg:$0x0];
	s2 =	stileid.u32  }
0x27c: {  	s1 =	rddreg [dreg:$0x1];
	p0 =	sne.s32 s2, $0x0  }
0x27d: {  	s3 =	rddreg [dreg:$0x2];
	[bflag:$0x3] =	sbarrier.arrive $0xFFFF;
	s2 =	simm.s32 @!p0 $0x1C07  }
0x27e: {  	[timem:s3], [sflag:s2] =	dma.local @!p0 [hbm:s0], s1  }
0x27f: {  	s0 =	simm.s32 @!p0 $0x7  }
0x280: {  	_ =	swait.ge @!p0 [sflag:s0], s1  }
0x281: {  	s1 =	ssub.s32 @!p0 $0x0, s1;
	[sflag:s0] =	ssyncset.done @!p0 $0x0  }
0x282: {  	[sflag:s0] =	ssyncadd.s32 @!p0 s1  }
0x283: {  	[bflag:$0x3] =	sbarrier.arrive $0xFFFF  }
0x284: {  	_ =	shalt  }

</sc_bundles>
